<compile_context>
chip_gen: v7x
topology: tpu7x:2x2x1
jax: 0.10.2.dev20260603
libtpu: 0.0.44.dev20260713+nightly
codegen_flags: <defaults>
</compile_context>

<pallas_src>
import functools

import jax
import jax.numpy as jnp
import numpy as np
from jax import lax
from jax.experimental import pallas as pl

_SM_TAB = np.array(
    [[0, 0, 0, 0, 0],
     [0, 1, 1, 0, 1],
     [0, 1, 1, 1, 1],
     [0, 0, 1, 1, 1],
     [0, 1, 1, 1, 0]], dtype=np.float32)

_RB = 8
_PB = 4096
_F32 = jnp.float32
_BF16 = jnp.bfloat16


def _dot(a, b, precision=None):
    return lax.dot_general(a, b, (((1,), (0,)), ((), ())),
                           preferred_element_type=_F32, precision=precision)


def _dot_t(a, b):
    return lax.dot_general(a, b, (((1,), (1,)), ((), ())),
                           preferred_element_type=_F32)


def _dot_bf(wb, h):
    return _dot(wb, h.astype(_BF16))


def _rowsel(maskf, v):
    return jnp.sum(maskf * v, axis=1, keepdims=True)


def _gelu(u):
    return 0.5 * u * (1.0 + lax.erf(u / np.float32(np.sqrt(2.0))))


def _accum(st_ref, contrib):
    first = jnp.logical_and(pl.program_id(0) == 0, pl.program_id(1) == 0)

    @pl.when(first)
    def _():
        st_ref[...] = contrib

    @pl.when(jnp.logical_not(first))
    def _():
        st_ref[...] = st_ref[...] + contrib


def _stat_sums(v, vsq, r):
    a = _dot(v, r)
    b = _dot(vsq, r)
    return jnp.concatenate([a, b], axis=1)


def _pf_body(x_ref, oh_ref, sm_ref, f_ref, st_ref, *, S):
    n = pl.program_id(1)
    r0 = n * _RB
    px = x_ref[0, 0:1, :]
    py = x_ref[0, 1:2, :]
    pz = x_ref[0, 2:3, :]
    e = x_ref[0, 3:4, :]
    rap_c = 0.5 * jnp.log(1.0 + 2.0 * pz / jnp.maximum(e - pz, 1e-20))
    phi_c = jnp.arctan2(py, px)

    subi = lax.broadcasted_iota(jnp.int32, (_RB, S), 0)
    lanei = lax.broadcasted_iota(jnp.int32, (_RB, S), 1)
    maskf = (lanei == subi + r0).astype(_F32)

    rap_r, phi_r = _rowsel(maskf, rap_c), _rowsel(maskf, phi_c)
    pxr, pyr = _rowsel(maskf, px), _rowsel(maskf, py)
    pzr, er = _rowsel(maskf, pz), _rowsel(maskf, e)

    drap = rap_r - rap_c
    dphi = jnp.mod(phi_r - phi_c + np.pi, 2.0 * np.pi) - np.pi
    delta = jnp.sqrt(drap * drap + dphi * dphi)
    lndelta = jnp.log(jnp.maximum(delta, 1e-8))
    sx, sy, sz, se = pxr + px, pyr + py, pzr + pz, er + e
    m2 = jnp.maximum(se * se - (sx * sx + sy * sy + sz * sz), 1e-8)
    lnm2 = jnp.log(m2)

    oh = oh_ref[0]
    smc = _dot(sm_ref[...], oh)
    oh_t = _dot_t(maskf, oh)
    idint = _dot(oh_t, smc)

    f_ref[0, 0] = lndelta
    f_ref[0, 1] = lnm2
    f_ref[0, 2] = idint

    feats = (lndelta, lnm2, idint)

    def red(a):
        return jnp.sum(a, axis=0, keepdims=True)

    pieces = []
    for c in range(3):
        pieces.append(red(feats[c]))
        pieces.append(red(feats[c] * feats[c]))
    for c in range(3):
        pieces.append(red(feats[c] * maskf))
        pieces.append(red(feats[c] * feats[c] * maskf))
    pieces.append(jnp.zeros((4, S), _F32))
    _accum(st_ref, jnp.concatenate(pieces, axis=0))


def _p1_body(f_ref, r_ref, a0_ref, c0_ref, w1_ref, b1_ref, st_ref):
    w1b = w1_ref[...].astype(_BF16)
    f = f_ref[0]
    h0 = a0_ref[...] * f + c0_ref[...]
    v1 = _dot_bf(w1b, h0) + b1_ref[...]
    _accum(st_ref, _stat_sums(v1, v1 * v1, r_ref[0]))


def _p2_body(f_ref, r_ref, a0_ref, c0_ref, w1_ref, b1_ref, a1_ref, c1_ref,
             w2_ref, b2_ref, out_ref, st_ref):
    w1b = w1_ref[...].astype(_BF16)
    w2b = w2_ref[...].astype(_BF16)
    f = f_ref[0]
    h0 = a0_ref[...] * f + c0_ref[...]
    v1 = _dot_bf(w1b, h0) + b1_ref[...]
    h = _gelu(a1_ref[...] * v1 + c1_ref[...])
    v2 = _dot_bf(w2b, h) + b2_ref[...]
    out_ref[0] = v2
    _accum(st_ref, _stat_sums(v2, v2 * v2, r_ref[0]))


def _mid_body(v_ref, r_ref, a_ref, c_ref, w_ref, b_ref, out_ref, st_ref):
    wb = w_ref[...].astype(_BF16)
    v = v_ref[0]
    h = _gelu(a_ref[...] * v + c_ref[...])
    vo = _dot_bf(wb, h) + b_ref[...]
    out_ref[0] = vo
    _accum(st_ref, _stat_sums(vo, vo * vo, r_ref[0]))


def _p5_body(v_ref, a_ref, c_ref, y_ref):
    y_ref[0] = _gelu(a_ref[...] * v_ref[0] + c_ref[...])


def _const_spec(shape):
    nd = len(shape)
    return pl.BlockSpec(shape, lambda b, n, _nd=nd: (0,) * _nd)


def _flat_spec(C):
    return pl.BlockSpec((1, C, _PB), lambda b, n: (b, 0, n))


def _tril_stats(sum_f, sum_d, nt):
    return (sum_f + sum_d) * (0.5 / nt)


def kernel(x, ids, gamma0, beta0, w1, b1, g1, bt1, w2, b2, g2, bt2,
           w3, b3, g3, bt3, w4, b4, g4, bt4):
    B, _, S = x.shape
    P = S * S
    grid_f = (B, S // _RB)
    grid = (B, P // _PB)
    nt = float(B * (S * (S + 1) // 2))
    eps = 1e-5

    oh = (ids[:, None, :] == jnp.arange(8, dtype=ids.dtype)[None, :, None])
    oh = oh.astype(_F32)
    smp = jnp.zeros((8, 8), _F32).at[:5, :5].set(jnp.asarray(_SM_TAB))

    feats, st0 = pl.pallas_call(
        functools.partial(_pf_body, S=S),
        grid=grid_f,
        in_specs=[
            pl.BlockSpec((1, 4, S), lambda b, n: (b, 0, 0)),
            pl.BlockSpec((1, 8, S), lambda b, n: (b, 0, 0)),
            _const_spec((8, 8)),
        ],
        out_specs=[
            pl.BlockSpec((1, 3, _RB, S), lambda b, n: (b, 0, n, 0)),
            _const_spec((16, S)),
        ],
        out_shape=[
            jax.ShapeDtypeStruct((B, 3, S, S), _F32),
            jax.ShapeDtypeStruct((16, S), _F32),
        ],
    )(x, oh, smp)
    feats = feats.reshape(B, 3, P)

    v16 = jnp.sum(st0, axis=1)
    m0 = _tril_stats(v16[0:6:2], v16[6:12:2], nt)
    sq0 = _tril_stats(v16[1:6:2], v16[7:12:2], nt)
    var0 = sq0 - m0 * m0
    a0 = gamma0 / jnp.sqrt(var0 + eps)
    c0 = beta0 - m0 * a0

    def col(v):
        return v[:, None]

    def raw_stats(st, g, bt):
        m = _tril_stats(st[:, 0], st[:, 1], nt)
        sq = _tril_stats(st[:, 2], st[:, 3], nt)
        var = sq - m * m
        a = g / jnp.sqrt(var + eps)
        return a, bt - m * a

    dmf = (jnp.arange(P, dtype=jnp.int32) % (S + 1) == 0).astype(_F32)
    rmat = jnp.stack([jnp.ones((P,), _F32), dmf], axis=1)
    rmat = rmat.reshape(P // _PB, _PB, 2)
    rspec = pl.BlockSpec((1, _PB, 2), lambda b, n: (n, 0, 0))

    st1 = pl.pallas_call(
        _p1_body,
        grid=grid,
        in_specs=[
            _flat_spec(3), rspec,
            _const_spec((3, 1)), _const_spec((3, 1)),
            _const_spec((64, 3)), _const_spec((64, 1)),
        ],
        out_specs=_const_spec((64, 4)),
        out_shape=jax.ShapeDtypeStruct((64, 4), _F32),
    )(feats, rmat, col(a0), col(c0), w1, col(b1))
    a1, c1 = raw_stats(st1, g1, bt1)

    v2, st2 = pl.pallas_call(
        _p2_body,
        grid=grid,
        in_specs=[
            _flat_spec(3), rspec,
            _const_spec((3, 1)), _const_spec((3, 1)),
            _const_spec((64, 3)), _const_spec((64, 1)),
            _const_spec((64, 1)), _const_spec((64, 1)),
            _const_spec((64, 64)), _const_spec((64, 1)),
        ],
        out_specs=[_flat_spec(64), _const_spec((64, 4))],
        out_shape=[
            jax.ShapeDtypeStruct((B, 64, P), _F32),
            jax.ShapeDtypeStruct((64, 4), _F32),
        ],
    )(feats, rmat, col(a0), col(c0), w1, col(b1), col(a1), col(c1),
      w2, col(b2))
    a2, c2 = raw_stats(st2, g2, bt2)

    def mid_pass(v, a, c, w, b):
        return pl.pallas_call(
            _mid_body,
            grid=grid,
            in_specs=[
                _flat_spec(64), rspec,
                _const_spec((64, 1)), _const_spec((64, 1)),
                _const_spec((w.shape[0], 64)), _const_spec((w.shape[0], 1)),
            ],
            out_specs=[_flat_spec(w.shape[0]),
                       _const_spec((w.shape[0], 4))],
            out_shape=[
                jax.ShapeDtypeStruct((B, w.shape[0], P), _F32),
                jax.ShapeDtypeStruct((w.shape[0], 4), _F32),
            ],
        )(v, rmat, col(a), col(c), w, col(b))

    v3, st3 = mid_pass(v2, a2, c2, w3, b3)
    a3, c3 = raw_stats(st3, g3, bt3)

    v4, st4 = mid_pass(v3, a3, c3, w4, b4)
    a4, c4 = raw_stats(st4, g4, bt4)

    y = pl.pallas_call(
        _p5_body,
        grid=grid,
        in_specs=[
            _flat_spec(8),
            _const_spec((8, 1)), _const_spec((8, 1)),
        ],
        out_specs=_flat_spec(8),
        out_shape=jax.ShapeDtypeStruct((B, 8, P), _F32),
    )(v4, col(a4), col(c4))
    return y.reshape(B, 8, S, S)

# --- scband reference (transcript-rebuilt; emitter-appended) ---
"""Pipeline reference for scband-pair-embed-42829413876125 (READ-ONLY COPY).

The authoritative reference and input builder live on the scoring server;
editing this copy changes nothing except your own understanding.
"""

import jax, jax.numpy as jnp
import numpy as np

SM = jnp.array([[0,0,0,0,0],[0,1,1,0,1],[0,1,1,1,1],[0,0,1,1,1],[0,1,1,1,0]], dtype=jnp.int32)
CH = [(3,64),(64,64),(64,64),(64,8)]

def setup_inputs(seed: int = 0):
    key = jax.random.key(seed)
    ks = jax.random.split(key, 32)
    B, S = 128, 128
    inp = {}
    inp['x'] = jax.random.uniform(ks[0], (B,4,S), dtype=jnp.float32)
    inp['ids'] = jax.random.randint(ks[1], (B,S), 0, 5, dtype=jnp.int32)
    inp['gamma0'] = jnp.ones((3,), dtype=jnp.float32)
    inp['beta0'] = jnp.zeros((3,), dtype=jnp.float32)
    for li,(ci,co) in enumerate(CH, start=1):
        inp['w%d'%li] = jax.random.normal(ks[2*li], (co,ci), dtype=jnp.float32) / np.sqrt(ci)
        inp['b%d'%li] = jnp.zeros((co,), dtype=jnp.float32)
        inp['g%d'%li] = jnp.ones((co,), dtype=jnp.float32)
        inp['bt%d'%li] = jnp.zeros((co,), dtype=jnp.float32)
    return inp

def _bn(v, g, b):
    m = jnp.mean(v, axis=(0,2), keepdims=True)
    va = jnp.var(v, axis=(0,2), keepdims=True)
    return (v - m) / jnp.sqrt(va + 1e-5) * g[None,:,None] + b[None,:,None]

def _conv(v, w, b):
    return jnp.einsum('oc,bcl->bol', w, v) + b[None,:,None]

def _ptrapphi(v):
    px, py, pz, e = v[:,0:1], v[:,1:2], v[:,2:3], v[:,3:4]
    pt = jnp.sqrt(px*px + py*py)
    rap = 0.5 * jnp.log(1.0 + 2.0*pz / jnp.maximum(e - pz, 1e-20))
    phi = jnp.arctan2(py, px)
    return pt, rap, phi

def _pairwise(x, ids, i, j, eps=1e-08):
    xi = x[:,:,i]; xj = x[:,:,j]
    idi = ids[:,i]; idj = ids[:,j]
    pti, rapi, phii = _ptrapphi(xi)
    ptj, rapj, phij = _ptrapphi(xj)
    dphi = jnp.mod(phii - phij + np.pi, 2.0*np.pi) - np.pi
    deltaij = jnp.sqrt((rapi - rapj)**2 + dphi**2)
    lndelta = jnp.log(jnp.maximum(deltaij, eps))
    xij = xi + xj
    m2 = jnp.maximum(xij[:,3:4]**2 - jnp.sum(xij[:,:3]**2, axis=1, keepdims=True), eps)
    lnm2 = jnp.log(m2)
    id_int = SM[idi, idj][:, None, :].astype(jnp.float32)
    return jnp.concatenate([lndelta, lnm2, id_int], axis=1)

def reference(x, ids, gamma0, beta0, w1, b1, g1, bt1, w2, b2, g2, bt2, w3, b3, g3, bt3, w4, b4, g4, bt4):
    B, _, S = x.shape
    i, j = np.tril_indices(S)
    feats = jax.lax.stop_gradient(_pairwise(x, ids, i, j))
    h = _bn(feats, gamma0, beta0)
    for (w, b, g, bt) in [(w1,b1,g1,bt1),(w2,b2,g2,bt2),(w3,b3,g3,bt3),(w4,b4,g4,bt4)]:
        h = jax.nn.gelu(_bn(_conv(h, w, b), g, bt), approximate=False)
    out_dim = h.shape[1]
    y = jnp.zeros((B, out_dim, S, S), dtype=h.dtype)
    y = y.at[:, :, i, j].set(h)
    y = y.at[:, :, j, i].set(h)
    return y

if __name__ == "__main__":
    import jax
    _d = setup_inputs()
    print(jax.jit(kernel)(*tuple(_d.values())))

</pallas_src>

<mosaic_0001>
module attributes {stable_mosaic.version = 14 : i64} {
  func.func @_pf_body(%arg0: i32, %arg1: i32, %arg2: memref<1x4x128xf32, #tpu.memory_space<vmem>>, %arg3: memref<1x8x128xf32, #tpu.memory_space<vmem>>, %arg4: memref<8x8xf32, #tpu.memory_space<vmem>>, %arg5: memref<1x3x8x128xf32, #tpu.memory_space<vmem>>, %arg6: memref<16x128xf32, #tpu.memory_space<vmem>>) attributes {dimension_semantics = [#tpu.dimension_semantics<arbitrary>, #tpu.dimension_semantics<arbitrary>], iteration_bounds = array<i64: 128, 16>, scalar_prefetch = 0 : i64, scratch_operands = 0 : i64, tpu.core_type = #tpu.core_type<tc>, window_params = [{transform_indices = @transform_0, window_bounds = array<i64: 1, 4, 128>}, {transform_indices = @transform_1, window_bounds = array<i64: 1, 8, 128>}, {pipeline_mode = #tpu.pipeline_mode<synchronous>, transform_indices = @transform_2, window_bounds = array<i64: 8, 8>}, {transform_indices = @transform_3, window_bounds = array<i64: 1, 3, 8, 128>}, {pipeline_mode = #tpu.pipeline_mode<synchronous>, transform_indices = @transform_4, window_bounds = array<i64: 16, 128>}]} {
    %mul3A = arith.constant 8 : i32
    %mul3A_0 = arith.muli %arg1, %mul3A : i32
    %get3A = arith.constant 0 : index
    %get3A_1 = arith.constant 0 : index
    %get3A_2 = arith.constant 0 : index
    %get3A_3 = vector.load %arg2[%get3A, %get3A_1, %get3A_2] : memref<1x4x128xf32, #tpu.memory_space<vmem>>, vector<1x1x128xf32>
    %get3A_4 = vector.shape_cast %get3A_3 : vector<1x1x128xf32> to vector<1x128xf32>
    %get3A_5 = arith.constant 0 : index
    %get3A_6 = arith.constant 1 : index
    %get3A_7 = arith.constant 0 : index
    %get3A_8 = vector.load %arg2[%get3A_5, %get3A_6, %get3A_7] : memref<1x4x128xf32, #tpu.memory_space<vmem>>, vector<1x1x128xf32>
    %get3A_9 = vector.shape_cast %get3A_8 : vector<1x1x128xf32> to vector<1x128xf32>
    %get3A_10 = arith.constant 0 : index
    %get3A_11 = arith.constant 2 : index
    %get3A_12 = arith.constant 0 : index
    %get3A_13 = vector.load %arg2[%get3A_10, %get3A_11, %get3A_12] : memref<1x4x128xf32, #tpu.memory_space<vmem>>, vector<1x1x128xf32>
    %get3A_14 = vector.shape_cast %get3A_13 : vector<1x1x128xf32> to vector<1x128xf32>
    %get3A_15 = arith.constant 0 : index
    %get3A_16 = arith.constant 3 : index
    %get3A_17 = arith.constant 0 : index
    %get3A_18 = vector.load %arg2[%get3A_15, %get3A_16, %get3A_17] : memref<1x4x128xf32, #tpu.memory_space<vmem>>, vector<1x1x128xf32>
    %get3A_19 = vector.shape_cast %get3A_18 : vector<1x1x128xf32> to vector<1x128xf32>
    %mul3A_20 = arith.constant 2.000000e+00 : f32
    %mul3A_21 = vector.broadcast %mul3A_20 : f32 to vector<1x128xf32>
    %mul3A_22 = arith.mulf %mul3A_21, %get3A_14 : vector<1x128xf32>
    %sub3A = arith.subf %get3A_19, %get3A_14 : vector<1x128xf32>
    %max3A = arith.constant 9.99999968E-21 : f32
    %max3A_23 = vector.broadcast %max3A : f32 to vector<1x128xf32>
    %max3A_24 = arith.maximumf %sub3A, %max3A_23 : vector<1x128xf32>
    %div3A = arith.divf %mul3A_22, %max3A_24 : vector<1x128xf32>
    %add3A = arith.constant 1.000000e+00 : f32
    %add3A_25 = vector.broadcast %add3A : f32 to vector<1x128xf32>
    %add3A_26 = arith.addf %add3A_25, %div3A : vector<1x128xf32>
    %log3A = math.log %add3A_26 : vector<1x128xf32>
    %mul3A_27 = arith.constant 5.000000e-01 : f32
    %mul3A_28 = vector.broadcast %mul3A_27 : f32 to vector<1x128xf32>
    %mul3A_29 = arith.mulf %mul3A_28, %log3A : vector<1x128xf32>
    %atan23A = math.atan2 %get3A_9, %get3A_4 : vector<1x128xf32>
    %iota3A = tpu.iota {dimensions = array<i32: 0>} : vector<8x128xi32>
    %iota3A_30 = tpu.iota {dimensions = array<i32: 1>} : vector<8x128xi32>
    %add3A_31 = vector.broadcast %mul3A_0 : i32 to vector<8x128xi32>
    %add3A_32 = arith.addi %iota3A, %add3A_31 : vector<8x128xi32>
    %eq3A = arith.cmpi eq, %iota3A_30, %add3A_32 : vector<8x128xi32>
    %convert_element_type3A = arith.extui %eq3A : vector<8x128xi1> to vector<8x128xi32>
    %convert_element_type3A_33 = arith.sitofp %convert_element_type3A : vector<8x128xi32> to vector<8x128xf32>
    %mul3A_34 = vector.broadcast %mul3A_29 : vector<1x128xf32> to vector<8x128xf32>
    %mul3A_35 = arith.mulf %convert_element_type3A_33, %mul3A_34 : vector<8x128xf32>
    %reduce_sum3A = arith.constant dense<0.000000e+00> : vector<8xf32>
    %reduce_sum3A_36 = vector.multi_reduction <add>, %mul3A_35, %reduce_sum3A [1] : vector<8x128xf32> to vector<8xf32>
    %broadcast_in_dim3A = vector.shape_cast %reduce_sum3A_36 : vector<8xf32> to vector<8x1xf32>
    %mul3A_37 = vector.broadcast %atan23A : vector<1x128xf32> to vector<8x128xf32>
    %mul3A_38 = arith.mulf %convert_element_type3A_33, %mul3A_37 : vector<8x128xf32>
    %reduce_sum3A_39 = arith.constant dense<0.000000e+00> : vector<8xf32>
    %reduce_sum3A_40 = vector.multi_reduction <add>, %mul3A_38, %reduce_sum3A_39 [1] : vector<8x128xf32> to vector<8xf32>
    %broadcast_in_dim3A_41 = vector.shape_cast %reduce_sum3A_40 : vector<8xf32> to vector<8x1xf32>
    %mul3A_42 = vector.broadcast %get3A_4 : vector<1x128xf32> to vector<8x128xf32>
    %mul3A_43 = arith.mulf %convert_element_type3A_33, %mul3A_42 : vector<8x128xf32>
    %reduce_sum3A_44 = arith.constant dense<0.000000e+00> : vector<8xf32>
    %reduce_sum3A_45 = vector.multi_reduction <add>, %mul3A_43, %reduce_sum3A_44 [1] : vector<8x128xf32> to vector<8xf32>
    %broadcast_in_dim3A_46 = vector.shape_cast %reduce_sum3A_45 : vector<8xf32> to vector<8x1xf32>
    %mul3A_47 = vector.broadcast %get3A_9 : vector<1x128xf32> to vector<8x128xf32>
    %mul3A_48 = arith.mulf %convert_element_type3A_33, %mul3A_47 : vector<8x128xf32>
    %reduce_sum3A_49 = arith.constant dense<0.000000e+00> : vector<8xf32>
    %reduce_sum3A_50 = vector.multi_reduction <add>, %mul3A_48, %reduce_sum3A_49 [1] : vector<8x128xf32> to vector<8xf32>
    %broadcast_in_dim3A_51 = vector.shape_cast %reduce_sum3A_50 : vector<8xf32> to vector<8x1xf32>
    %mul3A_52 = vector.broadcast %get3A_14 : vector<1x128xf32> to vector<8x128xf32>
    %mul3A_53 = arith.mulf %convert_element_type3A_33, %mul3A_52 : vector<8x128xf32>
    %reduce_sum3A_54 = arith.constant dense<0.000000e+00> : vector<8xf32>
    %reduce_sum3A_55 = vector.multi_reduction <add>, %mul3A_53, %reduce_sum3A_54 [1] : vector<8x128xf32> to vector<8xf32>
    %broadcast_in_dim3A_56 = vector.shape_cast %reduce_sum3A_55 : vector<8xf32> to vector<8x1xf32>
    %mul3A_57 = vector.broadcast %get3A_19 : vector<1x128xf32> to vector<8x128xf32>
    %mul3A_58 = arith.mulf %convert_element_type3A_33, %mul3A_57 : vector<8x128xf32>
    %reduce_sum3A_59 = arith.constant dense<0.000000e+00> : vector<8xf32>
    %reduce_sum3A_60 = vector.multi_reduction <add>, %mul3A_58, %reduce_sum3A_59 [1] : vector<8x128xf32> to vector<8xf32>
    %broadcast_in_dim3A_61 = vector.shape_cast %reduce_sum3A_60 : vector<8xf32> to vector<8x1xf32>
    %sub3A_62 = vector.broadcast %broadcast_in_dim3A : vector<8x1xf32> to vector<8x128xf32>
    %sub3A_63 = vector.broadcast %mul3A_29 : vector<1x128xf32> to vector<8x128xf32>
    %sub3A_64 = arith.subf %sub3A_62, %sub3A_63 : vector<8x128xf32>
    %sub3A_65 = vector.broadcast %broadcast_in_dim3A_41 : vector<8x1xf32> to vector<8x128xf32>
    %sub3A_66 = vector.broadcast %atan23A : vector<1x128xf32> to vector<8x128xf32>
    %sub3A_67 = arith.subf %sub3A_65, %sub3A_66 : vector<8x128xf32>
    %add3A_68 = arith.constant 3.14159274 : f32
    %add3A_69 = vector.broadcast %add3A_68 : f32 to vector<8x128xf32>
    %add3A_70 = arith.addf %sub3A_67, %add3A_69 : vector<8x128xf32>
    %jit3A = arith.constant 6.28318548 : f32
    %rem3A = vector.broadcast %jit3A : f32 to vector<8x128xf32>
    %rem3A_71 = arith.remf %add3A_70, %rem3A : vector<8x128xf32>
    %ne3A = arith.constant 0.000000e+00 : f32
    %ne3A_72 = vector.broadcast %ne3A : f32 to vector<8x128xf32>
    %ne3A_73 = arith.cmpf one, %rem3A_71, %ne3A_72 : vector<8x128xf32>
    %lt3A = arith.constant 0.000000e+00 : f32
    %lt3A_74 = vector.broadcast %lt3A : f32 to vector<8x128xf32>
    %lt3A_75 = arith.cmpf olt, %rem3A_71, %lt3A_74 : vector<8x128xf32>
    %lt3A_76 = arith.constant 0.000000e+00 : f32
    %lt3A_77 = arith.cmpf olt, %jit3A, %lt3A_76 : f32
    %ne3A_78 = vector.broadcast %lt3A_77 : i1 to vector<8x128xi1>
    %ne3A_79 = vector.broadcast %ne3A_78 : vector<8x128xi1> to vector<8x128xi1>
    %ne3A_80 = arith.xori %lt3A_75, %ne3A_79 : vector<8x128xi1>
    %and3A = arith.andi %ne3A_80, %ne3A_73 : vector<8x128xi1>
    %add3A_81 = vector.broadcast %jit3A : f32 to vector<8x128xf32>
    %add3A_82 = arith.addf %rem3A_71, %add3A_81 : vector<8x128xf32>
    %select_n3A = arith.select %and3A, %add3A_82, %rem3A_71 : vector<8x128xi1>, vector<8x128xf32>
    %sub3A_83 = arith.constant 3.14159274 : f32
    %sub3A_84 = vector.broadcast %sub3A_83 : f32 to vector<8x128xf32>
    %sub3A_85 = arith.subf %select_n3A, %sub3A_84 : vector<8x128xf32>
    %mul3A_86 = arith.mulf %sub3A_64, %sub3A_64 : vector<8x128xf32>
    %mul3A_87 = arith.mulf %sub3A_85, %sub3A_85 : vector<8x128xf32>
    %add3A_88 = arith.addf %mul3A_86, %mul3A_87 : vector<8x128xf32>
    %sqrt3A = math.sqrt %add3A_88 : vector<8x128xf32>
    %max3A_89 = arith.constant 9.99999993E-9 : f32
    %max3A_90 = vector.broadcast %max3A_89 : f32 to vector<8x128xf32>
    %max3A_91 = arith.maximumf %sqrt3A, %max3A_90 : vector<8x128xf32>
    %log3A_92 = math.log %max3A_91 : vector<8x128xf32>
    %add3A_93 = vector.broadcast %broadcast_in_dim3A_46 : vector<8x1xf32> to vector<8x128xf32>
    %add3A_94 = vector.broadcast %get3A_4 : vector<1x128xf32> to vector<8x128xf32>
    %add3A_95 = arith.addf %add3A_93, %add3A_94 : vector<8x128xf32>
    %add3A_96 = vector.broadcast %broadcast_in_dim3A_51 : vector<8x1xf32> to vector<8x128xf32>
    %add3A_97 = vector.broadcast %get3A_9 : vector<1x128xf32> to vector<8x128xf32>
    %add3A_98 = arith.addf %add3A_96, %add3A_97 : vector<8x128xf32>
    %add3A_99 = vector.broadcast %broadcast_in_dim3A_56 : vector<8x1xf32> to vector<8x128xf32>
    %add3A_100 = vector.broadcast %get3A_14 : vector<1x128xf32> to vector<8x128xf32>
    %add3A_101 = arith.addf %add3A_99, %add3A_100 : vector<8x128xf32>
    %add3A_102 = vector.broadcast %broadcast_in_dim3A_61 : vector<8x1xf32> to vector<8x128xf32>
    %add3A_103 = vector.broadcast %get3A_19 : vector<1x128xf32> to vector<8x128xf32>
    %add3A_104 = arith.addf %add3A_102, %add3A_103 : vector<8x128xf32>
    %mul3A_105 = arith.mulf %add3A_104, %add3A_104 : vector<8x128xf32>
    %mul3A_106 = arith.mulf %add3A_95, %add3A_95 : vector<8x128xf32>
    %mul3A_107 = arith.mulf %add3A_98, %add3A_98 : vector<8x128xf32>
    %add3A_108 = arith.addf %mul3A_106, %mul3A_107 : vector<8x128xf32>
    %mul3A_109 = arith.mulf %add3A_101, %add3A_101 : vector<8x128xf32>
    %add3A_110 = arith.addf %add3A_108, %mul3A_109 : vector<8x128xf32>
    %sub3A_111 = arith.subf %mul3A_105, %add3A_110 : vector<8x128xf32>
    %max3A_112 = arith.constant 9.99999993E-9 : f32
    %max3A_113 = vector.broadcast %max3A_112 : f32 to vector<8x128xf32>
    %max3A_114 = arith.maximumf %sub3A_111, %max3A_113 : vector<8x128xf32>
    %log3A_115 = math.log %max3A_114 : vector<8x128xf32>
    %get3A_116 = arith.constant 0 : index
    %get3A_117 = arith.constant 0 : index
    %get3A_118 = arith.constant 0 : index
    %get3A_119 = vector.load %arg3[%get3A_116, %get3A_117, %get3A_118] : memref<1x8x128xf32, #tpu.memory_space<vmem>>, vector<1x8x128xf32>
    %get3A_120 = vector.shape_cast %get3A_119 : vector<1x8x128xf32> to vector<8x128xf32>
    %get3A_121 = arith.constant 0 : index
    %get3A_122 = arith.constant 0 : index
    %get3A_123 = vector.load %arg4[%get3A_121, %get3A_122] : memref<8x8xf32, #tpu.memory_space<vmem>>, vector<8x8xf32>
    %dot_general3A = arith.constant dense<0.000000e+00> : vector<8x128xf32>
    %dot_general3A_124 = tpu.matmul %get3A_123, %get3A_120, %dot_general3A {dimension_numbers = #tpu.dot_dimension_numbers<[1], [0], [0], [1], [0, 0, 1, 1], [], []>, transpose_lhs_hint = false} : vector<8x8xf32>, vector<8x128xf32>, vector<8x128xf32> -> vector<8x128xf32>
    %dot_general3A_125 = arith.constant dense<0.000000e+00> : vector<8x8xf32>
    %dot_general3A_126 = tpu.matmul %convert_element_type3A_33, %get3A_120, %dot_general3A_125 {dimension_numbers = #tpu.dot_dimension_numbers<[1], [1], [0], [0], [0, 0, 1, 0], [], []>, transpose_lhs_hint = false} : vector<8x128xf32>, vector<8x128xf32>, vector<8x8xf32> -> vector<8x8xf32>
    %dot_general3A_127 = arith.constant dense<0.000000e+00> : vector<8x128xf32>
    %dot_general3A_128 = tpu.matmul %dot_general3A_126, %dot_general3A_124, %dot_general3A_127 {dimension_numbers = #tpu.dot_dimension_numbers<[1], [0], [0], [1], [0, 0, 1, 1], [], []>, transpose_lhs_hint = false} : vector<8x8xf32>, vector<8x128xf32>, vector<8x128xf32> -> vector<8x128xf32>
    %swap3A = arith.constant 0 : index
    %swap3A_129 = arith.constant 0 : index
    %swap3A_130 = arith.constant 0 : index
    %swap3A_131 = arith.constant 0 : index
    %swap3A_132 = vector.load %arg5[%swap3A, %swap3A_129, %swap3A_130, %swap3A_131] : memref<1x3x8x128xf32, #tpu.memory_space<vmem>>, vector<1x1x8x128xf32>
    %swap3A_133 = vector.shape_cast %swap3A_132 : vector<1x1x8x128xf32> to vector<8x128xf32>
    %swap3A_134 = vector.shape_cast %log3A_92 : vector<8x128xf32> to vector<1x1x8x128xf32>
    tpu.vector_store %arg5[%swap3A, %swap3A_129, %swap3A_130, %swap3A_131], %swap3A_134 {strides = array<i32>} : memref<1x3x8x128xf32, #tpu.memory_space<vmem>>, vector<1x1x8x128xf32>,
    %swap3A_135 = arith.constant 0 : index
    %swap3A_136 = arith.constant 1 : index
    %swap3A_137 = arith.constant 0 : index
    %swap3A_138 = arith.constant 0 : index
    %swap3A_139 = vector.load %arg5[%swap3A_135, %swap3A_136, %swap3A_137, %swap3A_138] : memref<1x3x8x128xf32, #tpu.memory_space<vmem>>, vector<1x1x8x128xf32>
    %swap3A_140 = vector.shape_cast %swap3A_139 : vector<1x1x8x128xf32> to vector<8x128xf32>
    %swap3A_141 = vector.shape_cast %log3A_115 : vector<8x128xf32> to vector<1x1x8x128xf32>
    tpu.vector_store %arg5[%swap3A_135, %swap3A_136, %swap3A_137, %swap3A_138], %swap3A_141 {strides = array<i32>} : memref<1x3x8x128xf32, #tpu.memory_space<vmem>>, vector<1x1x8x128xf32>,
    %swap3A_142 = arith.constant 0 : index
    %swap3A_143 = arith.constant 2 : index
    %swap3A_144 = arith.constant 0 : index
    %swap3A_145 = arith.constant 0 : index
    %swap3A_146 = vector.load %arg5[%swap3A_142, %swap3A_143, %swap3A_144, %swap3A_145] : memref<1x3x8x128xf32, #tpu.memory_space<vmem>>, vector<1x1x8x128xf32>
    %swap3A_147 = vector.shape_cast %swap3A_146 : vector<1x1x8x128xf32> to vector<8x128xf32>
    %swap3A_148 = vector.shape_cast %dot_general3A_128 : vector<8x128xf32> to vector<1x1x8x128xf32>
    tpu.vector_store %arg5[%swap3A_142, %swap3A_143, %swap3A_144, %swap3A_145], %swap3A_148 {strides = array<i32>} : memref<1x3x8x128xf32, #tpu.memory_space<vmem>>, vector<1x1x8x128xf32>,
    %reduce_sum3A_149 = arith.constant dense<0.000000e+00> : vector<128xf32>
    %reduce_sum3A_150 = vector.multi_reduction <add>, %log3A_92, %reduce_sum3A_149 [0] : vector<8x128xf32> to vector<128xf32>
    %broadcast_in_dim3A_151 = vector.shape_cast %reduce_sum3A_150 : vector<128xf32> to vector<1x128xf32>
    %mul3A_152 = arith.mulf %log3A_92, %log3A_92 : vector<8x128xf32>
    %reduce_sum3A_153 = arith.constant dense<0.000000e+00> : vector<128xf32>
    %reduce_sum3A_154 = vector.multi_reduction <add>, %mul3A_152, %reduce_sum3A_153 [0] : vector<8x128xf32> to vector<128xf32>
    %broadcast_in_dim3A_155 = vector.shape_cast %reduce_sum3A_154 : vector<128xf32> to vector<1x128xf32>
    %reduce_sum3A_156 = arith.constant dense<0.000000e+00> : vector<128xf32>
    %reduce_sum3A_157 = vector.multi_reduction <add>, %log3A_115, %reduce_sum3A_156 [0] : vector<8x128xf32> to vector<128xf32>
    %broadcast_in_dim3A_158 = vector.shape_cast %reduce_sum3A_157 : vector<128xf32> to vector<1x128xf32>
    %mul3A_159 = arith.mulf %log3A_115, %log3A_115 : vector<8x128xf32>
    %reduce_sum3A_160 = arith.constant dense<0.000000e+00> : vector<128xf32>
    %reduce_sum3A_161 = vector.multi_reduction <add>, %mul3A_159, %reduce_sum3A_160 [0] : vector<8x128xf32> to vector<128xf32>
    %broadcast_in_dim3A_162 = vector.shape_cast %reduce_sum3A_161 : vector<128xf32> to vector<1x128xf32>
    %reduce_sum3A_163 = arith.constant dense<0.000000e+00> : vector<128xf32>
    %reduce_sum3A_164 = vector.multi_reduction <add>, %dot_general3A_128, %reduce_sum3A_163 [0] : vector<8x128xf32> to vector<128xf32>
    %broadcast_in_dim3A_165 = vector.shape_cast %reduce_sum3A_164 : vector<128xf32> to vector<1x128xf32>
    %mul3A_166 = arith.mulf %dot_general3A_128, %dot_general3A_128 : vector<8x128xf32>
    %reduce_sum3A_167 = arith.constant dense<0.000000e+00> : vector<128xf32>
    %reduce_sum3A_168 = vector.multi_reduction <add>, %mul3A_166, %reduce_sum3A_167 [0] : vector<8x128xf32> to vector<128xf32>
    %broadcast_in_dim3A_169 = vector.shape_cast %reduce_sum3A_168 : vector<128xf32> to vector<1x128xf32>
    %mul3A_170 = arith.mulf %log3A_92, %convert_element_type3A_33 : vector<8x128xf32>
    %reduce_sum3A_171 = arith.constant dense<0.000000e+00> : vector<128xf32>
    %reduce_sum3A_172 = vector.multi_reduction <add>, %mul3A_170, %reduce_sum3A_171 [0] : vector<8x128xf32> to vector<128xf32>
    %broadcast_in_dim3A_173 = vector.shape_cast %reduce_sum3A_172 : vector<128xf32> to vector<1x128xf32>
    %mul3A_174 = arith.mulf %log3A_92, %log3A_92 : vector<8x128xf32>
    %mul3A_175 = arith.mulf %mul3A_174, %convert_element_type3A_33 : vector<8x128xf32>
    %reduce_sum3A_176 = arith.constant dense<0.000000e+00> : vector<128xf32>
    %reduce_sum3A_177 = vector.multi_reduction <add>, %mul3A_175, %reduce_sum3A_176 [0] : vector<8x128xf32> to vector<128xf32>
    %broadcast_in_dim3A_178 = vector.shape_cast %reduce_sum3A_177 : vector<128xf32> to vector<1x128xf32>
    %mul3A_179 = arith.mulf %log3A_115, %convert_element_type3A_33 : vector<8x128xf32>
    %reduce_sum3A_180 = arith.constant dense<0.000000e+00> : vector<128xf32>
    %reduce_sum3A_181 = vector.multi_reduction <add>, %mul3A_179, %reduce_sum3A_180 [0] : vector<8x128xf32> to vector<128xf32>
    %broadcast_in_dim3A_182 = vector.shape_cast %reduce_sum3A_181 : vector<128xf32> to vector<1x128xf32>
    %mul3A_183 = arith.mulf %log3A_115, %log3A_115 : vector<8x128xf32>
    %mul3A_184 = arith.mulf %mul3A_183, %convert_element_type3A_33 : vector<8x128xf32>
    %reduce_sum3A_185 = arith.constant dense<0.000000e+00> : vector<128xf32>
    %reduce_sum3A_186 = vector.multi_reduction <add>, %mul3A_184, %reduce_sum3A_185 [0] : vector<8x128xf32> to vector<128xf32>
    %broadcast_in_dim3A_187 = vector.shape_cast %reduce_sum3A_186 : vector<128xf32> to vector<1x128xf32>
    %mul3A_188 = arith.mulf %dot_general3A_128, %convert_element_type3A_33 : vector<8x128xf32>
    %reduce_sum3A_189 = arith.constant dense<0.000000e+00> : vector<128xf32>
    %reduce_sum3A_190 = vector.multi_reduction <add>, %mul3A_188, %reduce_sum3A_189 [0] : vector<8x128xf32> to vector<128xf32>
    %broadcast_in_dim3A_191 = vector.shape_cast %reduce_sum3A_190 : vector<128xf32> to vector<1x128xf32>
    %mul3A_192 = arith.mulf %dot_general3A_128, %dot_general3A_128 : vector<8x128xf32>
    %mul3A_193 = arith.mulf %mul3A_192, %convert_element_type3A_33 : vector<8x128xf32>
    %reduce_sum3A_194 = arith.constant dense<0.000000e+00> : vector<128xf32>
    %reduce_sum3A_195 = vector.multi_reduction <add>, %mul3A_193, %reduce_sum3A_194 [0] : vector<8x128xf32> to vector<128xf32>
    %broadcast_in_dim3A_196 = vector.shape_cast %reduce_sum3A_195 : vector<128xf32> to vector<1x128xf32>
    %broadcast_in_dim3A_197 = arith.constant 0.000000e+00 : f32
    %broadcast_in_dim3A_198 = vector.broadcast %broadcast_in_dim3A_197 : f32 to vector<4x128xf32>
    %concatenate3A = tpu.concatenate %broadcast_in_dim3A_151, %broadcast_in_dim3A_155, %broadcast_in_dim3A_158, %broadcast_in_dim3A_162, %broadcast_in_dim3A_165, %broadcast_in_dim3A_169, %broadcast_in_dim3A_173, %broadcast_in_dim3A_178, %broadcast_in_dim3A_182, %broadcast_in_dim3A_187, %broadcast_in_dim3A_191, %broadcast_in_dim3A_196, %broadcast_in_dim3A_198 in 0 : vector<1x128xf32>, vector<1x128xf32>, vector<1x128xf32>, vector<1x128xf32>, vector<1x128xf32>, vector<1x128xf32>, vector<1x128xf32>, vector<1x128xf32>, vector<1x128xf32>, vector<1x128xf32>, vector<1x128xf32>, vector<1x128xf32>, vector<4x128xf32> -> vector<16x128xf32>
    %eq3A_199 = arith.constant 0 : i32
    %eq3A_200 = arith.cmpi eq, %arg0, %eq3A_199 : i32
    %eq3A_201 = arith.constant 0 : i32
    %eq3A_202 = arith.cmpi eq, %arg1, %eq3A_201 : i32
    %and3A_203 = arith.andi %eq3A_200, %eq3A_202 : i1
    %convert_element_type3A_204 = arith.extui %and3A_203 : i1 to i32
    %cond3A = arith.constant 0 : i32
    %cond3A_205 = arith.cmpi ne, %convert_element_type3A_204, %cond3A : i32
    scf.if %cond3A_205 {
      %swap3A_210 = arith.constant 0 : index
      %swap3A_211 = arith.constant 0 : index
      %swap3A_212 = vector.load %arg6[%swap3A_210, %swap3A_211] : memref<16x128xf32, #tpu.memory_space<vmem>>, vector<16x128xf32>
      tpu.vector_store %arg6[%swap3A_210, %swap3A_211], %concatenate3A {strides = array<i32>} : memref<16x128xf32, #tpu.memory_space<vmem>>, vector<16x128xf32>,
    } else {
    }
    %not3A = arith.constant true
    %not3A_206 = arith.xori %and3A_203, %not3A : i1
    %convert_element_type3A_207 = arith.extui %not3A_206 : i1 to i32
    %cond3A_208 = arith.constant 0 : i32
    %cond3A_209 = arith.cmpi ne, %convert_element_type3A_207, %cond3A_208 : i32
    scf.if %cond3A_209 {
      %get3A_210 = arith.constant 0 : index
      %get3A_211 = arith.constant 0 : index
      %get3A_212 = vector.load %arg6[%get3A_210, %get3A_211] : memref<16x128xf32, #tpu.memory_space<vmem>>, vector<16x128xf32>
      %add3A_213 = arith.addf %get3A_212, %concatenate3A : vector<16x128xf32>
      %swap3A_214 = arith.constant 0 : index
      %swap3A_215 = arith.constant 0 : index
      %swap3A_216 = vector.load %arg6[%swap3A_214, %swap3A_215] : memref<16x128xf32, #tpu.memory_space<vmem>>, vector<16x128xf32>
      tpu.vector_store %arg6[%swap3A_214, %swap3A_215], %add3A_213 {strides = array<i32>} : memref<16x128xf32, #tpu.memory_space<vmem>>, vector<16x128xf32>,
    } else {
    }
    return
  }
  func.func @transform_0(%arg0: i32, %arg1: i32) -> (i32, i32, i32) {
    %c0_i32 = arith.constant 0 : i32
    %c0_i32_0 = arith.constant 0 : i32
    %c0_i32_1 = arith.constant 0 : i32
    return %arg0, %c0_i32, %c0_i32_0 : i32, i32, i32
  }
  func.func @transform_1(%arg0: i32, %arg1: i32) -> (i32, i32, i32) {
    %c0_i32 = arith.constant 0 : i32
    %c0_i32_0 = arith.constant 0 : i32
    %c0_i32_1 = arith.constant 0 : i32
    return %arg0, %c0_i32, %c0_i32_0 : i32, i32, i32
  }
  func.func @transform_2(%arg0: i32, %arg1: i32) -> (i32, i32) {
    %c0_i32 = arith.constant 0 : i32
    %c0_i32_0 = arith.constant 0 : i32
    %c0_i32_1 = arith.constant 0 : i32
    return %c0_i32, %c0_i32_0 : i32, i32
  }
  func.func @transform_3(%arg0: i32, %arg1: i32) -> (i32, i32, i32, i32) {
    %c0_i32 = arith.constant 0 : i32
    %c0_i32_0 = arith.constant 0 : i32
    %c0_i32_1 = arith.constant 0 : i32
    return %arg0, %c0_i32, %arg1, %c0_i32_0 : i32, i32, i32, i32
  }
  func.func @transform_4(%arg0: i32, %arg1: i32) -> (i32, i32) {
    %c0_i32 = arith.constant 0 : i32
    %c0_i32_0 = arith.constant 0 : i32
    %c0_i32_1 = arith.constant 0 : i32
    return %c0_i32, %c0_i32_0 : i32, i32
  }
}

module attributes {stable_mosaic.version = 14 : i64} {
  func.func @_p1_body(%arg0: i32, %arg1: i32, %arg2: memref<1x3x4096xf32, #tpu.memory_space<vmem>>, %arg3: memref<1x4096x2xf32, #tpu.memory_space<vmem>>, %arg4: memref<3x1xf32, #tpu.memory_space<vmem>>, %arg5: memref<3x1xf32, #tpu.memory_space<vmem>>, %arg6: memref<64x3xf32, #tpu.memory_space<vmem>>, %arg7: memref<64x1xf32, #tpu.memory_space<vmem>>, %arg8: memref<64x4xf32, #tpu.memory_space<vmem>>) attributes {dimension_semantics = [#tpu.dimension_semantics<arbitrary>, #tpu.dimension_semantics<arbitrary>], iteration_bounds = array<i64: 128, 4>, scalar_prefetch = 0 : i64, scratch_operands = 0 : i64, tpu.core_type = #tpu.core_type<tc>, window_params = [{transform_indices = @transform_0, window_bounds = array<i64: 1, 3, 4096>}, {transform_indices = @transform_1, window_bounds = array<i64: 1, 4096, 2>}, {pipeline_mode = #tpu.pipeline_mode<synchronous>, transform_indices = @transform_2, window_bounds = array<i64: 3, 1>}, {pipeline_mode = #tpu.pipeline_mode<synchronous>, transform_indices = @transform_3, window_bounds = array<i64: 3, 1>}, {pipeline_mode = #tpu.pipeline_mode<synchronous>, transform_indices = @transform_4, window_bounds = array<i64: 64, 3>}, {pipeline_mode = #tpu.pipeline_mode<synchronous>, transform_indices = @transform_5, window_bounds = array<i64: 64, 1>}, {pipeline_mode = #tpu.pipeline_mode<synchronous>, transform_indices = @transform_6, window_bounds = array<i64: 64, 4>}]} {
    %get3A = arith.constant 0 : index
    %get3A_0 = arith.constant 0 : index
    %get3A_1 = vector.load %arg6[%get3A, %get3A_0] : memref<64x3xf32, #tpu.memory_space<vmem>>, vector<64x3xf32>
    %convert_element_type3A = arith.truncf %get3A_1 : vector<64x3xf32> to vector<64x3xbf16>
    %get3A_2 = arith.constant 0 : index
    %get3A_3 = arith.constant 0 : index
    %get3A_4 = arith.constant 0 : index
    %get3A_5 = vector.load %arg2[%get3A_2, %get3A_3, %get3A_4] : memref<1x3x4096xf32, #tpu.memory_space<vmem>>, vector<1x3x4096xf32>
    %get3A_6 = vector.shape_cast %get3A_5 : vector<1x3x4096xf32> to vector<3x4096xf32>
    %get3A_7 = arith.constant 0 : index
    %get3A_8 = arith.constant 0 : index
    %get3A_9 = vector.load %arg4[%get3A_7, %get3A_8] : memref<3x1xf32, #tpu.memory_space<vmem>>, vector<3x1xf32>
    %mul3A = vector.broadcast %get3A_9 : vector<3x1xf32> to vector<3x4096xf32>
    %mul3A_10 = arith.mulf %mul3A, %get3A_6 : vector<3x4096xf32>
    %get3A_11 = arith.constant 0 : index
    %get3A_12 = arith.constant 0 : index
    %get3A_13 = vector.load %arg5[%get3A_11, %get3A_12] : memref<3x1xf32, #tpu.memory_space<vmem>>, vector<3x1xf32>
    %add3A = vector.broadcast %get3A_13 : vector<3x1xf32> to vector<3x4096xf32>
    %add3A_14 = arith.addf %mul3A_10, %add3A : vector<3x4096xf32>
    %convert_element_type3A_15 = arith.truncf %add3A_14 : vector<3x4096xf32> to vector<3x4096xbf16>
    %dot_general3A = arith.constant dense<0.000000e+00> : vector<64x4096xf32>
    %dot_general3A_16 = tpu.matmul %convert_element_type3A, %convert_element_type3A_15, %dot_general3A {dimension_numbers = #tpu.dot_dimension_numbers<[1], [0], [0], [1], [0, 0, 1, 1], [], []>, transpose_lhs_hint = false} : vector<64x3xbf16>, vector<3x4096xbf16>, vector<64x4096xf32> -> vector<64x4096xf32>
    %get3A_17 = arith.constant 0 : index
    %get3A_18 = arith.constant 0 : index
    %get3A_19 = vector.load %arg7[%get3A_17, %get3A_18] : memref<64x1xf32, #tpu.memory_space<vmem>>, vector<64x1xf32>
    %add3A_20 = vector.broadcast %get3A_19 : vector<64x1xf32> to vector<64x4096xf32>
    %add3A_21 = arith.addf %dot_general3A_16, %add3A_20 : vector<64x4096xf32>
    %mul3A_22 = arith.mulf %add3A_21, %add3A_21 : vector<64x4096xf32>
    %get3A_23 = arith.constant 0 : index
    %get3A_24 = arith.constant 0 : index
    %get3A_25 = arith.constant 0 : index
    %get3A_26 = vector.load %arg3[%get3A_23, %get3A_24, %get3A_25] : memref<1x4096x2xf32, #tpu.memory_space<vmem>>, vector<1x4096x2xf32>
    %get3A_27 = vector.shape_cast %get3A_26 : vector<1x4096x2xf32> to vector<4096x2xf32>
    %dot_general3A_28 = arith.constant dense<0.000000e+00> : vector<64x2xf32>
    %dot_general3A_29 = tpu.matmul %add3A_21, %get3A_27, %dot_general3A_28 {dimension_numbers = #tpu.dot_dimension_numbers<[1], [0], [0], [1], [0, 0, 1, 1], [], []>, transpose_lhs_hint = false} : vector<64x4096xf32>, vector<4096x2xf32>, vector<64x2xf32> -> vector<64x2xf32>
    %dot_general3A_30 = arith.constant dense<0.000000e+00> : vector<64x2xf32>
    %dot_general3A_31 = tpu.matmul %mul3A_22, %get3A_27, %dot_general3A_30 {dimension_numbers = #tpu.dot_dimension_numbers<[1], [0], [0], [1], [0, 0, 1, 1], [], []>, transpose_lhs_hint = false} : vector<64x4096xf32>, vector<4096x2xf32>, vector<64x2xf32> -> vector<64x2xf32>
    %concatenate3A = tpu.concatenate %dot_general3A_29, %dot_general3A_31 in 1 : vector<64x2xf32>, vector<64x2xf32> -> vector<64x4xf32>
    %eq3A = arith.constant 0 : i32
    %eq3A_32 = arith.cmpi eq, %arg0, %eq3A : i32
    %eq3A_33 = arith.constant 0 : i32
    %eq3A_34 = arith.cmpi eq, %arg1, %eq3A_33 : i32
    %and3A = arith.andi %eq3A_32, %eq3A_34 : i1
    %convert_element_type3A_35 = arith.extui %and3A : i1 to i32
    %cond3A = arith.constant 0 : i32
    %cond3A_36 = arith.cmpi ne, %convert_element_type3A_35, %cond3A : i32
    scf.if %cond3A_36 {
      %swap3A = arith.constant 0 : index
      %swap3A_41 = arith.constant 0 : index
      %swap3A_42 = vector.load %arg8[%swap3A, %swap3A_41] : memref<64x4xf32, #tpu.memory_space<vmem>>, vector<64x4xf32>
      tpu.vector_store %arg8[%swap3A, %swap3A_41], %concatenate3A {strides = array<i32>} : memref<64x4xf32, #tpu.memory_space<vmem>>, vector<64x4xf32>,
    } else {
    }
    %not3A = arith.constant true
    %not3A_37 = arith.xori %and3A, %not3A : i1
    %convert_element_type3A_38 = arith.extui %not3A_37 : i1 to i32
    %cond3A_39 = arith.constant 0 : i32
    %cond3A_40 = arith.cmpi ne, %convert_element_type3A_38, %cond3A_39 : i32
    scf.if %cond3A_40 {
      %get3A_41 = arith.constant 0 : index
      %get3A_42 = arith.constant 0 : index
      %get3A_43 = vector.load %arg8[%get3A_41, %get3A_42] : memref<64x4xf32, #tpu.memory_space<vmem>>, vector<64x4xf32>
      %add3A_44 = arith.addf %get3A_43, %concatenate3A : vector<64x4xf32>
      %swap3A = arith.constant 0 : index
      %swap3A_45 = arith.constant 0 : index
      %swap3A_46 = vector.load %arg8[%swap3A, %swap3A_45] : memref<64x4xf32, #tpu.memory_space<vmem>>, vector<64x4xf32>
      tpu.vector_store %arg8[%swap3A, %swap3A_45], %add3A_44 {strides = array<i32>} : memref<64x4xf32, #tpu.memory_space<vmem>>, vector<64x4xf32>,
    } else {
    }
    return
  }
  func.func @transform_0(%arg0: i32, %arg1: i32) -> (i32, i32, i32) {
    %c0_i32 = arith.constant 0 : i32
    %c0_i32_0 = arith.constant 0 : i32
    return %arg0, %c0_i32, %arg1 : i32, i32, i32
  }
  func.func @transform_1(%arg0: i32, %arg1: i32) -> (i32, i32, i32) {
    %c0_i32 = arith.constant 0 : i32
    %c0_i32_0 = arith.constant 0 : i32
    %c0_i32_1 = arith.constant 0 : i32
    return %arg1, %c0_i32, %c0_i32_0 : i32, i32, i32
  }
  func.func @transform_2(%arg0: i32, %arg1: i32) -> (i32, i32) {
    %c0_i32 = arith.constant 0 : i32
    %c0_i32_0 = arith.constant 0 : i32
    %c0_i32_1 = arith.constant 0 : i32
    return %c0_i32, %c0_i32_0 : i32, i32
  }
  func.func @transform_3(%arg0: i32, %arg1: i32) -> (i32, i32) {
    %c0_i32 = arith.constant 0 : i32
    %c0_i32_0 = arith.constant 0 : i32
    %c0_i32_1 = arith.constant 0 : i32
    return %c0_i32, %c0_i32_0 : i32, i32
  }
  func.func @transform_4(%arg0: i32, %arg1: i32) -> (i32, i32) {
    %c0_i32 = arith.constant 0 : i32
    %c0_i32_0 = arith.constant 0 : i32
    %c0_i32_1 = arith.constant 0 : i32
    return %c0_i32, %c0_i32_0 : i32, i32
  }
  func.func @transform_5(%arg0: i32, %arg1: i32) -> (i32, i32) {
    %c0_i32 = arith.constant 0 : i32
    %c0_i32_0 = arith.constant 0 : i32
    %c0_i32_1 = arith.constant 0 : i32
    return %c0_i32, %c0_i32_0 : i32, i32
  }
  func.func @transform_6(%arg0: i32, %arg1: i32) -> (i32, i32) {
    %c0_i32 = arith.constant 0 : i32
    %c0_i32_0 = arith.constant 0 : i32
    %c0_i32_1 = arith.constant 0 : i32
    return %c0_i32, %c0_i32_0 : i32, i32
  }
}

module attributes {stable_mosaic.version = 14 : i64} {
  func.func @_p2_body(%arg0: i32, %arg1: i32, %arg2: memref<1x3x4096xf32, #tpu.memory_space<vmem>>, %arg3: memref<1x4096x2xf32, #tpu.memory_space<vmem>>, %arg4: memref<3x1xf32, #tpu.memory_space<vmem>>, %arg5: memref<3x1xf32, #tpu.memory_space<vmem>>, %arg6: memref<64x3xf32, #tpu.memory_space<vmem>>, %arg7: memref<64x1xf32, #tpu.memory_space<vmem>>, %arg8: memref<64x1xf32, #tpu.memory_space<vmem>>, %arg9: memref<64x1xf32, #tpu.memory_space<vmem>>, %arg10: memref<64x64xf32, #tpu.memory_space<vmem>>, %arg11: memref<64x1xf32, #tpu.memory_space<vmem>>, %arg12: memref<1x64x4096xf32, #tpu.memory_space<vmem>>, %arg13: memref<64x4xf32, #tpu.memory_space<vmem>>) attributes {dimension_semantics = [#tpu.dimension_semantics<arbitrary>, #tpu.dimension_semantics<arbitrary>], iteration_bounds = array<i64: 128, 4>, scalar_prefetch = 0 : i64, scratch_operands = 0 : i64, tpu.core_type = #tpu.core_type<tc>, window_params = [{transform_indices = @transform_0, window_bounds = array<i64: 1, 3, 4096>}, {transform_indices = @transform_1, window_bounds = array<i64: 1, 4096, 2>}, {pipeline_mode = #tpu.pipeline_mode<synchronous>, transform_indices = @transform_2, window_bounds = array<i64: 3, 1>}, {pipeline_mode = #tpu.pipeline_mode<synchronous>, transform_indices = @transform_3, window_bounds = array<i64: 3, 1>}, {pipeline_mode = #tpu.pipeline_mode<synchronous>, transform_indices = @transform_4, window_bounds = array<i64: 64, 3>}, {pipeline_mode = #tpu.pipeline_mode<synchronous>, transform_indices = @transform_5, window_bounds = array<i64: 64, 1>}, {pipeline_mode = #tpu.pipeline_mode<synchronous>, transform_indices = @transform_6, window_bounds = array<i64: 64, 1>}, {pipeline_mode = #tpu.pipeline_mode<synchronous>, transform_indices = @transform_7, window_bounds = array<i64: 64, 1>}, {pipeline_mode = #tpu.pipeline_mode<synchronous>, transform_indices = @transform_8, window_bounds = array<i64: 64, 64>}, {pipeline_mode = #tpu.pipeline_mode<synchronous>, transform_indices = @transform_9, window_bounds = array<i64: 64, 1>}, {transform_indices = @transform_10, window_bounds = array<i64: 1, 64, 4096>}, {pipeline_mode = #tpu.pipeline_mode<synchronous>, transform_indices = @transform_11, window_bounds = array<i64: 64, 4>}]} {
    %get3A = arith.constant 0 : index
    %get3A_0 = arith.constant 0 : index
    %get3A_1 = vector.load %arg6[%get3A, %get3A_0] : memref<64x3xf32, #tpu.memory_space<vmem>>, vector<64x3xf32>
    %convert_element_type3A = arith.truncf %get3A_1 : vector<64x3xf32> to vector<64x3xbf16>
    %get3A_2 = arith.constant 0 : index
    %get3A_3 = arith.constant 0 : index
    %get3A_4 = vector.load %arg10[%get3A_2, %get3A_3] : memref<64x64xf32, #tpu.memory_space<vmem>>, vector<64x64xf32>
    %convert_element_type3A_5 = arith.truncf %get3A_4 : vector<64x64xf32> to vector<64x64xbf16>
    %get3A_6 = arith.constant 0 : index
    %get3A_7 = arith.constant 0 : index
    %get3A_8 = arith.constant 0 : index
    %get3A_9 = vector.load %arg2[%get3A_6, %get3A_7, %get3A_8] : memref<1x3x4096xf32, #tpu.memory_space<vmem>>, vector<1x3x4096xf32>
    %get3A_10 = vector.shape_cast %get3A_9 : vector<1x3x4096xf32> to vector<3x4096xf32>
    %get3A_11 = arith.constant 0 : index
    %get3A_12 = arith.constant 0 : index
    %get3A_13 = vector.load %arg4[%get3A_11, %get3A_12] : memref<3x1xf32, #tpu.memory_space<vmem>>, vector<3x1xf32>
    %mul3A = vector.broadcast %get3A_13 : vector<3x1xf32> to vector<3x4096xf32>
    %mul3A_14 = arith.mulf %mul3A, %get3A_10 : vector<3x4096xf32>
    %get3A_15 = arith.constant 0 : index
    %get3A_16 = arith.constant 0 : index
    %get3A_17 = vector.load %arg5[%get3A_15, %get3A_16] : memref<3x1xf32, #tpu.memory_space<vmem>>, vector<3x1xf32>
    %add3A = vector.broadcast %get3A_17 : vector<3x1xf32> to vector<3x4096xf32>
    %add3A_18 = arith.addf %mul3A_14, %add3A : vector<3x4096xf32>
    %convert_element_type3A_19 = arith.truncf %add3A_18 : vector<3x4096xf32> to vector<3x4096xbf16>
    %dot_general3A = arith.constant dense<0.000000e+00> : vector<64x4096xf32>
    %dot_general3A_20 = tpu.matmul %convert_element_type3A, %convert_element_type3A_19, %dot_general3A {dimension_numbers = #tpu.dot_dimension_numbers<[1], [0], [0], [1], [0, 0, 1, 1], [], []>, transpose_lhs_hint = false} : vector<64x3xbf16>, vector<3x4096xbf16>, vector<64x4096xf32> -> vector<64x4096xf32>
    %get3A_21 = arith.constant 0 : index
    %get3A_22 = arith.constant 0 : index
    %get3A_23 = vector.load %arg7[%get3A_21, %get3A_22] : memref<64x1xf32, #tpu.memory_space<vmem>>, vector<64x1xf32>
    %add3A_24 = vector.broadcast %get3A_23 : vector<64x1xf32> to vector<64x4096xf32>
    %add3A_25 = arith.addf %dot_general3A_20, %add3A_24 : vector<64x4096xf32>
    %get3A_26 = arith.constant 0 : index
    %get3A_27 = arith.constant 0 : index
    %get3A_28 = vector.load %arg8[%get3A_26, %get3A_27] : memref<64x1xf32, #tpu.memory_space<vmem>>, vector<64x1xf32>
    %mul3A_29 = vector.broadcast %get3A_28 : vector<64x1xf32> to vector<64x4096xf32>
    %mul3A_30 = arith.mulf %mul3A_29, %add3A_25 : vector<64x4096xf32>
    %get3A_31 = arith.constant 0 : index
    %get3A_32 = arith.constant 0 : index
    %get3A_33 = vector.load %arg9[%get3A_31, %get3A_32] : memref<64x1xf32, #tpu.memory_space<vmem>>, vector<64x1xf32>
    %add3A_34 = vector.broadcast %get3A_33 : vector<64x1xf32> to vector<64x4096xf32>
    %add3A_35 = arith.addf %mul3A_30, %add3A_34 : vector<64x4096xf32>
    %mul3A_36 = arith.constant 5.000000e-01 : f32
    %mul3A_37 = vector.broadcast %mul3A_36 : f32 to vector<64x4096xf32>
    %mul3A_38 = arith.mulf %mul3A_37, %add3A_35 : vector<64x4096xf32>
    %div3A = arith.constant 1.41421354 : f32
    %div3A_39 = vector.broadcast %div3A : f32 to vector<64x4096xf32>
    %div3A_40 = arith.divf %add3A_35, %div3A_39 : vector<64x4096xf32>
    %erf3A = math.erf %div3A_40 : vector<64x4096xf32>
    %add3A_41 = arith.constant 1.000000e+00 : f32
    %add3A_42 = vector.broadcast %add3A_41 : f32 to vector<64x4096xf32>
    %add3A_43 = arith.addf %add3A_42, %erf3A : vector<64x4096xf32>
    %mul3A_44 = arith.mulf %mul3A_38, %add3A_43 : vector<64x4096xf32>
    %convert_element_type3A_45 = arith.truncf %mul3A_44 : vector<64x4096xf32> to vector<64x4096xbf16>
    %dot_general3A_46 = arith.constant dense<0.000000e+00> : vector<64x4096xf32>
    %dot_general3A_47 = tpu.matmul %convert_element_type3A_5, %convert_element_type3A_45, %dot_general3A_46 {dimension_numbers = #tpu.dot_dimension_numbers<[1], [0], [0], [1], [0, 0, 1, 1], [], []>, transpose_lhs_hint = false} : vector<64x64xbf16>, vector<64x4096xbf16>, vector<64x4096xf32> -> vector<64x4096xf32>
    %get3A_48 = arith.constant 0 : index
    %get3A_49 = arith.constant 0 : index
    %get3A_50 = vector.load %arg11[%get3A_48, %get3A_49] : memref<64x1xf32, #tpu.memory_space<vmem>>, vector<64x1xf32>
    %add3A_51 = vector.broadcast %get3A_50 : vector<64x1xf32> to vector<64x4096xf32>
    %add3A_52 = arith.addf %dot_general3A_47, %add3A_51 : vector<64x4096xf32>
    %swap3A = arith.constant 0 : index
    %swap3A_53 = arith.constant 0 : index
    %swap3A_54 = arith.constant 0 : index
    %swap3A_55 = vector.load %arg12[%swap3A, %swap3A_53, %swap3A_54] : memref<1x64x4096xf32, #tpu.memory_space<vmem>>, vector<1x64x4096xf32>
    %swap3A_56 = vector.shape_cast %swap3A_55 : vector<1x64x4096xf32> to vector<64x4096xf32>
    %swap3A_57 = vector.shape_cast %add3A_52 : vector<64x4096xf32> to vector<1x64x4096xf32>
    tpu.vector_store %arg12[%swap3A, %swap3A_53, %swap3A_54], %swap3A_57 {strides = array<i32>} : memref<1x64x4096xf32, #tpu.memory_space<vmem>>, vector<1x64x4096xf32>,
    %mul3A_58 = arith.mulf %add3A_52, %add3A_52 : vector<64x4096xf32>
    %get3A_59 = arith.constant 0 : index
    %get3A_60 = arith.constant 0 : index
    %get3A_61 = arith.constant 0 : index
    %get3A_62 = vector.load %arg3[%get3A_59, %get3A_60, %get3A_61] : memref<1x4096x2xf32, #tpu.memory_space<vmem>>, vector<1x4096x2xf32>
    %get3A_63 = vector.shape_cast %get3A_62 : vector<1x4096x2xf32> to vector<4096x2xf32>
    %dot_general3A_64 = arith.constant dense<0.000000e+00> : vector<64x2xf32>
    %dot_general3A_65 = tpu.matmul %add3A_52, %get3A_63, %dot_general3A_64 {dimension_numbers = #tpu.dot_dimension_numbers<[1], [0], [0], [1], [0, 0, 1, 1], [], []>, transpose_lhs_hint = false} : vector<64x4096xf32>, vector<4096x2xf32>, vector<64x2xf32> -> vector<64x2xf32>
    %dot_general3A_66 = arith.constant dense<0.000000e+00> : vector<64x2xf32>
    %dot_general3A_67 = tpu.matmul %mul3A_58, %get3A_63, %dot_general3A_66 {dimension_numbers = #tpu.dot_dimension_numbers<[1], [0], [0], [1], [0, 0, 1, 1], [], []>, transpose_lhs_hint = false} : vector<64x4096xf32>, vector<4096x2xf32>, vector<64x2xf32> -> vector<64x2xf32>
    %concatenate3A = tpu.concatenate %dot_general3A_65, %dot_general3A_67 in 1 : vector<64x2xf32>, vector<64x2xf32> -> vector<64x4xf32>
    %eq3A = arith.constant 0 : i32
    %eq3A_68 = arith.cmpi eq, %arg0, %eq3A : i32
    %eq3A_69 = arith.constant 0 : i32
    %eq3A_70 = arith.cmpi eq, %arg1, %eq3A_69 : i32
    %and3A = arith.andi %eq3A_68, %eq3A_70 : i1
    %convert_element_type3A_71 = arith.extui %and3A : i1 to i32
    %cond3A = arith.constant 0 : i32
    %cond3A_72 = arith.cmpi ne, %convert_element_type3A_71, %cond3A : i32
    scf.if %cond3A_72 {
      %swap3A_77 = arith.constant 0 : index
      %swap3A_78 = arith.constant 0 : index
      %swap3A_79 = vector.load %arg13[%swap3A_77, %swap3A_78] : memref<64x4xf32, #tpu.memory_space<vmem>>, vector<64x4xf32>
      tpu.vector_store %arg13[%swap3A_77, %swap3A_78], %concatenate3A {strides = array<i32>} : memref<64x4xf32, #tpu.memory_space<vmem>>, vector<64x4xf32>,
    } else {
    }
    %not3A = arith.constant true
    %not3A_73 = arith.xori %and3A, %not3A : i1
    %convert_element_type3A_74 = arith.extui %not3A_73 : i1 to i32
    %cond3A_75 = arith.constant 0 : i32
    %cond3A_76 = arith.cmpi ne, %convert_element_type3A_74, %cond3A_75 : i32
    scf.if %cond3A_76 {
      %get3A_77 = arith.constant 0 : index
      %get3A_78 = arith.constant 0 : index
      %get3A_79 = vector.load %arg13[%get3A_77, %get3A_78] : memref<64x4xf32, #tpu.memory_space<vmem>>, vector<64x4xf32>
      %add3A_80 = arith.addf %get3A_79, %concatenate3A : vector<64x4xf32>
      %swap3A_81 = arith.constant 0 : index
      %swap3A_82 = arith.constant 0 : index
      %swap3A_83 = vector.load %arg13[%swap3A_81, %swap3A_82] : memref<64x4xf32, #tpu.memory_space<vmem>>, vector<64x4xf32>
      tpu.vector_store %arg13[%swap3A_81, %swap3A_82], %add3A_80 {strides = array<i32>} : memref<64x4xf32, #tpu.memory_space<vmem>>, vector<64x4xf32>,
    } else {
    }
    return
  }
  func.func @transform_0(%arg0: i32, %arg1: i32) -> (i32, i32, i32) {
    %c0_i32 = arith.constant 0 : i32
    %c0_i32_0 = arith.constant 0 : i32
    return %arg0, %c0_i32, %arg1 : i32, i32, i32
  }
  func.func @transform_1(%arg0: i32, %arg1: i32) -> (i32, i32, i32) {
    %c0_i32 = arith.constant 0 : i32
    %c0_i32_0 = arith.constant 0 : i32
    %c0_i32_1 = arith.constant 0 : i32
    return %arg1, %c0_i32, %c0_i32_0 : i32, i32, i32
  }
  func.func @transform_2(%arg0: i32, %arg1: i32) -> (i32, i32) {
    %c0_i32 = arith.constant 0 : i32
    %c0_i32_0 = arith.constant 0 : i32
    %c0_i32_1 = arith.constant 0 : i32
    return %c0_i32, %c0_i32_0 : i32, i32
  }
  func.func @transform_3(%arg0: i32, %arg1: i32) -> (i32, i32) {
    %c0_i32 = arith.constant 0 : i32
    %c0_i32_0 = arith.constant 0 : i32
    %c0_i32_1 = arith.constant 0 : i32
    return %c0_i32, %c0_i32_0 : i32, i32
  }
  func.func @transform_4(%arg0: i32, %arg1: i32) -> (i32, i32) {
    %c0_i32 = arith.constant 0 : i32
    %c0_i32_0 = arith.constant 0 : i32
    %c0_i32_1 = arith.constant 0 : i32
    return %c0_i32, %c0_i32_0 : i32, i32
  }
  func.func @transform_5(%arg0: i32, %arg1: i32) -> (i32, i32) {
    %c0_i32 = arith.constant 0 : i32
    %c0_i32_0 = arith.constant 0 : i32
    %c0_i32_1 = arith.constant 0 : i32
    return %c0_i32, %c0_i32_0 : i32, i32
  }
  func.func @transform_6(%arg0: i32, %arg1: i32) -> (i32, i32) {
    %c0_i32 = arith.constant 0 : i32
    %c0_i32_0 = arith.constant 0 : i32
    %c0_i32_1 = arith.constant 0 : i32
    return %c0_i32, %c0_i32_0 : i32, i32
  }
  func.func @transform_7(%arg0: i32, %arg1: i32) -> (i32, i32) {
    %c0_i32 = arith.constant 0 : i32
    %c0_i32_0 = arith.constant 0 : i32
    %c0_i32_1 = arith.constant 0 : i32
    return %c0_i32, %c0_i32_0 : i32, i32
  }
  func.func @transform_8(%arg0: i32, %arg1: i32) -> (i32, i32) {
    %c0_i32 = arith.constant 0 : i32
    %c0_i32_0 = arith.constant 0 : i32
    %c0_i32_1 = arith.constant 0 : i32
    return %c0_i32, %c0_i32_0 : i32, i32
  }
  func.func @transform_9(%arg0: i32, %arg1: i32) -> (i32, i32) {
    %c0_i32 = arith.constant 0 : i32
    %c0_i32_0 = arith.constant 0 : i32
    %c0_i32_1 = arith.constant 0 : i32
    return %c0_i32, %c0_i32_0 : i32, i32
  }
  func.func @transform_10(%arg0: i32, %arg1: i32) -> (i32, i32, i32) {
    %c0_i32 = arith.constant 0 : i32
    %c0_i32_0 = arith.constant 0 : i32
    return %arg0, %c0_i32, %arg1 : i32, i32, i32
  }
  func.func @transform_11(%arg0: i32, %arg1: i32) -> (i32, i32) {
    %c0_i32 = arith.constant 0 : i32
    %c0_i32_0 = arith.constant 0 : i32
    %c0_i32_1 = arith.constant 0 : i32
    return %c0_i32, %c0_i32_0 : i32, i32
  }
}

module attributes {stable_mosaic.version = 14 : i64} {
  func.func @_mid_body(%arg0: i32, %arg1: i32, %arg2: memref<1x64x4096xf32, #tpu.memory_space<vmem>>, %arg3: memref<1x4096x2xf32, #tpu.memory_space<vmem>>, %arg4: memref<64x1xf32, #tpu.memory_space<vmem>>, %arg5: memref<64x1xf32, #tpu.memory_space<vmem>>, %arg6: memref<64x64xf32, #tpu.memory_space<vmem>>, %arg7: memref<64x1xf32, #tpu.memory_space<vmem>>, %arg8: memref<1x64x4096xf32, #tpu.memory_space<vmem>>, %arg9: memref<64x4xf32, #tpu.memory_space<vmem>>) attributes {dimension_semantics = [#tpu.dimension_semantics<arbitrary>, #tpu.dimension_semantics<arbitrary>], iteration_bounds = array<i64: 128, 4>, scalar_prefetch = 0 : i64, scratch_operands = 0 : i64, tpu.core_type = #tpu.core_type<tc>, window_params = [{transform_indices = @transform_0, window_bounds = array<i64: 1, 64, 4096>}, {transform_indices = @transform_1, window_bounds = array<i64: 1, 4096, 2>}, {pipeline_mode = #tpu.pipeline_mode<synchronous>, transform_indices = @transform_2, window_bounds = array<i64: 64, 1>}, {pipeline_mode = #tpu.pipeline_mode<synchronous>, transform_indices = @transform_3, window_bounds = array<i64: 64, 1>}, {pipeline_mode = #tpu.pipeline_mode<synchronous>, transform_indices = @transform_4, window_bounds = array<i64: 64, 64>}, {pipeline_mode = #tpu.pipeline_mode<synchronous>, transform_indices = @transform_5, window_bounds = array<i64: 64, 1>}, {transform_indices = @transform_6, window_bounds = array<i64: 1, 64, 4096>}, {pipeline_mode = #tpu.pipeline_mode<synchronous>, transform_indices = @transform_7, window_bounds = array<i64: 64, 4>}]} {
    %get3A = arith.constant 0 : index
    %get3A_0 = arith.constant 0 : index
    %get3A_1 = vector.load %arg6[%get3A, %get3A_0] : memref<64x64xf32, #tpu.memory_space<vmem>>, vector<64x64xf32>
    %convert_element_type3A = arith.truncf %get3A_1 : vector<64x64xf32> to vector<64x64xbf16>
    %get3A_2 = arith.constant 0 : index
    %get3A_3 = arith.constant 0 : index
    %get3A_4 = arith.constant 0 : index
    %get3A_5 = vector.load %arg2[%get3A_2, %get3A_3, %get3A_4] : memref<1x64x4096xf32, #tpu.memory_space<vmem>>, vector<1x64x4096xf32>
    %get3A_6 = vector.shape_cast %get3A_5 : vector<1x64x4096xf32> to vector<64x4096xf32>
    %get3A_7 = arith.constant 0 : index
    %get3A_8 = arith.constant 0 : index
    %get3A_9 = vector.load %arg4[%get3A_7, %get3A_8] : memref<64x1xf32, #tpu.memory_space<vmem>>, vector<64x1xf32>
    %mul3A = vector.broadcast %get3A_9 : vector<64x1xf32> to vector<64x4096xf32>
    %mul3A_10 = arith.mulf %mul3A, %get3A_6 : vector<64x4096xf32>
    %get3A_11 = arith.constant 0 : index
    %get3A_12 = arith.constant 0 : index
    %get3A_13 = vector.load %arg5[%get3A_11, %get3A_12] : memref<64x1xf32, #tpu.memory_space<vmem>>, vector<64x1xf32>
    %add3A = vector.broadcast %get3A_13 : vector<64x1xf32> to vector<64x4096xf32>
    %add3A_14 = arith.addf %mul3A_10, %add3A : vector<64x4096xf32>
    %mul3A_15 = arith.constant 5.000000e-01 : f32
    %mul3A_16 = vector.broadcast %mul3A_15 : f32 to vector<64x4096xf32>
    %mul3A_17 = arith.mulf %mul3A_16, %add3A_14 : vector<64x4096xf32>
    %div3A = arith.constant 1.41421354 : f32
    %div3A_18 = vector.broadcast %div3A : f32 to vector<64x4096xf32>
    %div3A_19 = arith.divf %add3A_14, %div3A_18 : vector<64x4096xf32>
    %erf3A = math.erf %div3A_19 : vector<64x4096xf32>
    %add3A_20 = arith.constant 1.000000e+00 : f32
    %add3A_21 = vector.broadcast %add3A_20 : f32 to vector<64x4096xf32>
    %add3A_22 = arith.addf %add3A_21, %erf3A : vector<64x4096xf32>
    %mul3A_23 = arith.mulf %mul3A_17, %add3A_22 : vector<64x4096xf32>
    %convert_element_type3A_24 = arith.truncf %mul3A_23 : vector<64x4096xf32> to vector<64x4096xbf16>
    %dot_general3A = arith.constant dense<0.000000e+00> : vector<64x4096xf32>
    %dot_general3A_25 = tpu.matmul %convert_element_type3A, %convert_element_type3A_24, %dot_general3A {dimension_numbers = #tpu.dot_dimension_numbers<[1], [0], [0], [1], [0, 0, 1, 1], [], []>, transpose_lhs_hint = false} : vector<64x64xbf16>, vector<64x4096xbf16>, vector<64x4096xf32> -> vector<64x4096xf32>
    %get3A_26 = arith.constant 0 : index
    %get3A_27 = arith.constant 0 : index
    %get3A_28 = vector.load %arg7[%get3A_26, %get3A_27] : memref<64x1xf32, #tpu.memory_space<vmem>>, vector<64x1xf32>
    %add3A_29 = vector.broadcast %get3A_28 : vector<64x1xf32> to vector<64x4096xf32>
    %add3A_30 = arith.addf %dot_general3A_25, %add3A_29 : vector<64x4096xf32>
    %swap3A = arith.constant 0 : index
    %swap3A_31 = arith.constant 0 : index
    %swap3A_32 = arith.constant 0 : index
    %swap3A_33 = vector.load %arg8[%swap3A, %swap3A_31, %swap3A_32] : memref<1x64x4096xf32, #tpu.memory_space<vmem>>, vector<1x64x4096xf32>
    %swap3A_34 = vector.shape_cast %swap3A_33 : vector<1x64x4096xf32> to vector<64x4096xf32>
    %swap3A_35 = vector.shape_cast %add3A_30 : vector<64x4096xf32> to vector<1x64x4096xf32>
    tpu.vector_store %arg8[%swap3A, %swap3A_31, %swap3A_32], %swap3A_35 {strides = array<i32>} : memref<1x64x4096xf32, #tpu.memory_space<vmem>>, vector<1x64x4096xf32>,
    %mul3A_36 = arith.mulf %add3A_30, %add3A_30 : vector<64x4096xf32>
    %get3A_37 = arith.constant 0 : index
    %get3A_38 = arith.constant 0 : index
    %get3A_39 = arith.constant 0 : index
    %get3A_40 = vector.load %arg3[%get3A_37, %get3A_38, %get3A_39] : memref<1x4096x2xf32, #tpu.memory_space<vmem>>, vector<1x4096x2xf32>
    %get3A_41 = vector.shape_cast %get3A_40 : vector<1x4096x2xf32> to vector<4096x2xf32>
    %dot_general3A_42 = arith.constant dense<0.000000e+00> : vector<64x2xf32>
    %dot_general3A_43 = tpu.matmul %add3A_30, %get3A_41, %dot_general3A_42 {dimension_numbers = #tpu.dot_dimension_numbers<[1], [0], [0], [1], [0, 0, 1, 1], [], []>, transpose_lhs_hint = false} : vector<64x4096xf32>, vector<4096x2xf32>, vector<64x2xf32> -> vector<64x2xf32>
    %dot_general3A_44 = arith.constant dense<0.000000e+00> : vector<64x2xf32>
    %dot_general3A_45 = tpu.matmul %mul3A_36, %get3A_41, %dot_general3A_44 {dimension_numbers = #tpu.dot_dimension_numbers<[1], [0], [0], [1], [0, 0, 1, 1], [], []>, transpose_lhs_hint = false} : vector<64x4096xf32>, vector<4096x2xf32>, vector<64x2xf32> -> vector<64x2xf32>
    %concatenate3A = tpu.concatenate %dot_general3A_43, %dot_general3A_45 in 1 : vector<64x2xf32>, vector<64x2xf32> -> vector<64x4xf32>
    %eq3A = arith.constant 0 : i32
    %eq3A_46 = arith.cmpi eq, %arg0, %eq3A : i32
    %eq3A_47 = arith.constant 0 : i32
    %eq3A_48 = arith.cmpi eq, %arg1, %eq3A_47 : i32
    %and3A = arith.andi %eq3A_46, %eq3A_48 : i1
    %convert_element_type3A_49 = arith.extui %and3A : i1 to i32
    %cond3A = arith.constant 0 : i32
    %cond3A_50 = arith.cmpi ne, %convert_element_type3A_49, %cond3A : i32
    scf.if %cond3A_50 {
      %swap3A_55 = arith.constant 0 : index
      %swap3A_56 = arith.constant 0 : index
      %swap3A_57 = vector.load %arg9[%swap3A_55, %swap3A_56] : memref<64x4xf32, #tpu.memory_space<vmem>>, vector<64x4xf32>
      tpu.vector_store %arg9[%swap3A_55, %swap3A_56], %concatenate3A {strides = array<i32>} : memref<64x4xf32, #tpu.memory_space<vmem>>, vector<64x4xf32>,
    } else {
    }
    %not3A = arith.constant true
    %not3A_51 = arith.xori %and3A, %not3A : i1
    %convert_element_type3A_52 = arith.extui %not3A_51 : i1 to i32
    %cond3A_53 = arith.constant 0 : i32
    %cond3A_54 = arith.cmpi ne, %convert_element_type3A_52, %cond3A_53 : i32
    scf.if %cond3A_54 {
      %get3A_55 = arith.constant 0 : index
      %get3A_56 = arith.constant 0 : index
      %get3A_57 = vector.load %arg9[%get3A_55, %get3A_56] : memref<64x4xf32, #tpu.memory_space<vmem>>, vector<64x4xf32>
      %add3A_58 = arith.addf %get3A_57, %concatenate3A : vector<64x4xf32>
      %swap3A_59 = arith.constant 0 : index
      %swap3A_60 = arith.constant 0 : index
      %swap3A_61 = vector.load %arg9[%swap3A_59, %swap3A_60] : memref<64x4xf32, #tpu.memory_space<vmem>>, vector<64x4xf32>
      tpu.vector_store %arg9[%swap3A_59, %swap3A_60], %add3A_58 {strides = array<i32>} : memref<64x4xf32, #tpu.memory_space<vmem>>, vector<64x4xf32>,
    } else {
    }
    return
  }
  func.func @transform_0(%arg0: i32, %arg1: i32) -> (i32, i32, i32) {
    %c0_i32 = arith.constant 0 : i32
    %c0_i32_0 = arith.constant 0 : i32
    return %arg0, %c0_i32, %arg1 : i32, i32, i32
  }
  func.func @transform_1(%arg0: i32, %arg1: i32) -> (i32, i32, i32) {
    %c0_i32 = arith.constant 0 : i32
    %c0_i32_0 = arith.constant 0 : i32
    %c0_i32_1 = arith.constant 0 : i32
    return %arg1, %c0_i32, %c0_i32_0 : i32, i32, i32
  }
  func.func @transform_2(%arg0: i32, %arg1: i32) -> (i32, i32) {
    %c0_i32 = arith.constant 0 : i32
    %c0_i32_0 = arith.constant 0 : i32
    %c0_i32_1 = arith.constant 0 : i32
    return %c0_i32, %c0_i32_0 : i32, i32
  }
  func.func @transform_3(%arg0: i32, %arg1: i32) -> (i32, i32) {
    %c0_i32 = arith.constant 0 : i32
    %c0_i32_0 = arith.constant 0 : i32
    %c0_i32_1 = arith.constant 0 : i32
    return %c0_i32, %c0_i32_0 : i32, i32
  }
  func.func @transform_4(%arg0: i32, %arg1: i32) -> (i32, i32) {
    %c0_i32 = arith.constant 0 : i32
    %c0_i32_0 = arith.constant 0 : i32
    %c0_i32_1 = arith.constant 0 : i32
    return %c0_i32, %c0_i32_0 : i32, i32
  }
  func.func @transform_5(%arg0: i32, %arg1: i32) -> (i32, i32) {
    %c0_i32 = arith.constant 0 : i32
    %c0_i32_0 = arith.constant 0 : i32
    %c0_i32_1 = arith.constant 0 : i32
    return %c0_i32, %c0_i32_0 : i32, i32
  }
  func.func @transform_6(%arg0: i32, %arg1: i32) -> (i32, i32, i32) {
    %c0_i32 = arith.constant 0 : i32
    %c0_i32_0 = arith.constant 0 : i32
    return %arg0, %c0_i32, %arg1 : i32, i32, i32
  }
  func.func @transform_7(%arg0: i32, %arg1: i32) -> (i32, i32) {
    %c0_i32 = arith.constant 0 : i32
    %c0_i32_0 = arith.constant 0 : i32
    %c0_i32_1 = arith.constant 0 : i32
    return %c0_i32, %c0_i32_0 : i32, i32
  }
}

module attributes {stable_mosaic.version = 14 : i64} {
  func.func @_mid_body(%arg0: i32, %arg1: i32, %arg2: memref<1x64x4096xf32, #tpu.memory_space<vmem>>, %arg3: memref<1x4096x2xf32, #tpu.memory_space<vmem>>, %arg4: memref<64x1xf32, #tpu.memory_space<vmem>>, %arg5: memref<64x1xf32, #tpu.memory_space<vmem>>, %arg6: memref<8x64xf32, #tpu.memory_space<vmem>>, %arg7: memref<8x1xf32, #tpu.memory_space<vmem>>, %arg8: memref<1x8x4096xf32, #tpu.memory_space<vmem>>, %arg9: memref<8x4xf32, #tpu.memory_space<vmem>>) attributes {dimension_semantics = [#tpu.dimension_semantics<arbitrary>, #tpu.dimension_semantics<arbitrary>], iteration_bounds = array<i64: 128, 4>, scalar_prefetch = 0 : i64, scratch_operands = 0 : i64, tpu.core_type = #tpu.core_type<tc>, window_params = [{transform_indices = @transform_0, window_bounds = array<i64: 1, 64, 4096>}, {transform_indices = @transform_1, window_bounds = array<i64: 1, 4096, 2>}, {pipeline_mode = #tpu.pipeline_mode<synchronous>, transform_indices = @transform_2, window_bounds = array<i64: 64, 1>}, {pipeline_mode = #tpu.pipeline_mode<synchronous>, transform_indices = @transform_3, window_bounds = array<i64: 64, 1>}, {pipeline_mode = #tpu.pipeline_mode<synchronous>, transform_indices = @transform_4, window_bounds = array<i64: 8, 64>}, {pipeline_mode = #tpu.pipeline_mode<synchronous>, transform_indices = @transform_5, window_bounds = array<i64: 8, 1>}, {transform_indices = @transform_6, window_bounds = array<i64: 1, 8, 4096>}, {pipeline_mode = #tpu.pipeline_mode<synchronous>, transform_indices = @transform_7, window_bounds = array<i64: 8, 4>}]} {
    %get3A = arith.constant 0 : index
    %get3A_0 = arith.constant 0 : index
    %get3A_1 = vector.load %arg6[%get3A, %get3A_0] : memref<8x64xf32, #tpu.memory_space<vmem>>, vector<8x64xf32>
    %convert_element_type3A = arith.truncf %get3A_1 : vector<8x64xf32> to vector<8x64xbf16>
    %get3A_2 = arith.constant 0 : index
    %get3A_3 = arith.constant 0 : index
    %get3A_4 = arith.constant 0 : index
    %get3A_5 = vector.load %arg2[%get3A_2, %get3A_3, %get3A_4] : memref<1x64x4096xf32, #tpu.memory_space<vmem>>, vector<1x64x4096xf32>
    %get3A_6 = vector.shape_cast %get3A_5 : vector<1x64x4096xf32> to vector<64x4096xf32>
    %get3A_7 = arith.constant 0 : index
    %get3A_8 = arith.constant 0 : index
    %get3A_9 = vector.load %arg4[%get3A_7, %get3A_8] : memref<64x1xf32, #tpu.memory_space<vmem>>, vector<64x1xf32>
    %mul3A = vector.broadcast %get3A_9 : vector<64x1xf32> to vector<64x4096xf32>
    %mul3A_10 = arith.mulf %mul3A, %get3A_6 : vector<64x4096xf32>
    %get3A_11 = arith.constant 0 : index
    %get3A_12 = arith.constant 0 : index
    %get3A_13 = vector.load %arg5[%get3A_11, %get3A_12] : memref<64x1xf32, #tpu.memory_space<vmem>>, vector<64x1xf32>
    %add3A = vector.broadcast %get3A_13 : vector<64x1xf32> to vector<64x4096xf32>
    %add3A_14 = arith.addf %mul3A_10, %add3A : vector<64x4096xf32>
    %mul3A_15 = arith.constant 5.000000e-01 : f32
    %mul3A_16 = vector.broadcast %mul3A_15 : f32 to vector<64x4096xf32>
    %mul3A_17 = arith.mulf %mul3A_16, %add3A_14 : vector<64x4096xf32>
    %div3A = arith.constant 1.41421354 : f32
    %div3A_18 = vector.broadcast %div3A : f32 to vector<64x4096xf32>
    %div3A_19 = arith.divf %add3A_14, %div3A_18 : vector<64x4096xf32>
    %erf3A = math.erf %div3A_19 : vector<64x4096xf32>
    %add3A_20 = arith.constant 1.000000e+00 : f32
    %add3A_21 = vector.broadcast %add3A_20 : f32 to vector<64x4096xf32>
    %add3A_22 = arith.addf %add3A_21, %erf3A : vector<64x4096xf32>
    %mul3A_23 = arith.mulf %mul3A_17, %add3A_22 : vector<64x4096xf32>
    %convert_element_type3A_24 = arith.truncf %mul3A_23 : vector<64x4096xf32> to vector<64x4096xbf16>
    %dot_general3A = arith.constant dense<0.000000e+00> : vector<8x4096xf32>
    %dot_general3A_25 = tpu.matmul %convert_element_type3A, %convert_element_type3A_24, %dot_general3A {dimension_numbers = #tpu.dot_dimension_numbers<[1], [0], [0], [1], [0, 0, 1, 1], [], []>, transpose_lhs_hint = false} : vector<8x64xbf16>, vector<64x4096xbf16>, vector<8x4096xf32> -> vector<8x4096xf32>
    %get3A_26 = arith.constant 0 : index
    %get3A_27 = arith.constant 0 : index
    %get3A_28 = vector.load %arg7[%get3A_26, %get3A_27] : memref<8x1xf32, #tpu.memory_space<vmem>>, vector<8x1xf32>
    %add3A_29 = vector.broadcast %get3A_28 : vector<8x1xf32> to vector<8x4096xf32>
    %add3A_30 = arith.addf %dot_general3A_25, %add3A_29 : vector<8x4096xf32>
    %swap3A = arith.constant 0 : index
    %swap3A_31 = arith.constant 0 : index
    %swap3A_32 = arith.constant 0 : index
    %swap3A_33 = vector.load %arg8[%swap3A, %swap3A_31, %swap3A_32] : memref<1x8x4096xf32, #tpu.memory_space<vmem>>, vector<1x8x4096xf32>
    %swap3A_34 = vector.shape_cast %swap3A_33 : vector<1x8x4096xf32> to vector<8x4096xf32>
    %swap3A_35 = vector.shape_cast %add3A_30 : vector<8x4096xf32> to vector<1x8x4096xf32>
    tpu.vector_store %arg8[%swap3A, %swap3A_31, %swap3A_32], %swap3A_35 {strides = array<i32>} : memref<1x8x4096xf32, #tpu.memory_space<vmem>>, vector<1x8x4096xf32>,
    %mul3A_36 = arith.mulf %add3A_30, %add3A_30 : vector<8x4096xf32>
    %get3A_37 = arith.constant 0 : index
    %get3A_38 = arith.constant 0 : index
    %get3A_39 = arith.constant 0 : index
    %get3A_40 = vector.load %arg3[%get3A_37, %get3A_38, %get3A_39] : memref<1x4096x2xf32, #tpu.memory_space<vmem>>, vector<1x4096x2xf32>
    %get3A_41 = vector.shape_cast %get3A_40 : vector<1x4096x2xf32> to vector<4096x2xf32>
    %dot_general3A_42 = arith.constant dense<0.000000e+00> : vector<8x2xf32>
    %dot_general3A_43 = tpu.matmul %add3A_30, %get3A_41, %dot_general3A_42 {dimension_numbers = #tpu.dot_dimension_numbers<[1], [0], [0], [1], [0, 0, 1, 1], [], []>, transpose_lhs_hint = false} : vector<8x4096xf32>, vector<4096x2xf32>, vector<8x2xf32> -> vector<8x2xf32>
    %dot_general3A_44 = arith.constant dense<0.000000e+00> : vector<8x2xf32>
    %dot_general3A_45 = tpu.matmul %mul3A_36, %get3A_41, %dot_general3A_44 {dimension_numbers = #tpu.dot_dimension_numbers<[1], [0], [0], [1], [0, 0, 1, 1], [], []>, transpose_lhs_hint = false} : vector<8x4096xf32>, vector<4096x2xf32>, vector<8x2xf32> -> vector<8x2xf32>
    %concatenate3A = tpu.concatenate %dot_general3A_43, %dot_general3A_45 in 1 : vector<8x2xf32>, vector<8x2xf32> -> vector<8x4xf32>
    %eq3A = arith.constant 0 : i32
    %eq3A_46 = arith.cmpi eq, %arg0, %eq3A : i32
    %eq3A_47 = arith.constant 0 : i32
    %eq3A_48 = arith.cmpi eq, %arg1, %eq3A_47 : i32
    %and3A = arith.andi %eq3A_46, %eq3A_48 : i1
    %convert_element_type3A_49 = arith.extui %and3A : i1 to i32
    %cond3A = arith.constant 0 : i32
    %cond3A_50 = arith.cmpi ne, %convert_element_type3A_49, %cond3A : i32
    scf.if %cond3A_50 {
      %swap3A_55 = arith.constant 0 : index
      %swap3A_56 = arith.constant 0 : index
      %swap3A_57 = vector.load %arg9[%swap3A_55, %swap3A_56] : memref<8x4xf32, #tpu.memory_space<vmem>>, vector<8x4xf32>
      tpu.vector_store %arg9[%swap3A_55, %swap3A_56], %concatenate3A {strides = array<i32>} : memref<8x4xf32, #tpu.memory_space<vmem>>, vector<8x4xf32>,
    } else {
    }
    %not3A = arith.constant true
    %not3A_51 = arith.xori %and3A, %not3A : i1
    %convert_element_type3A_52 = arith.extui %not3A_51 : i1 to i32
    %cond3A_53 = arith.constant 0 : i32
    %cond3A_54 = arith.cmpi ne, %convert_element_type3A_52, %cond3A_53 : i32
    scf.if %cond3A_54 {
      %get3A_55 = arith.constant 0 : index
      %get3A_56 = arith.constant 0 : index
      %get3A_57 = vector.load %arg9[%get3A_55, %get3A_56] : memref<8x4xf32, #tpu.memory_space<vmem>>, vector<8x4xf32>
      %add3A_58 = arith.addf %get3A_57, %concatenate3A : vector<8x4xf32>
      %swap3A_59 = arith.constant 0 : index
      %swap3A_60 = arith.constant 0 : index
      %swap3A_61 = vector.load %arg9[%swap3A_59, %swap3A_60] : memref<8x4xf32, #tpu.memory_space<vmem>>, vector<8x4xf32>
      tpu.vector_store %arg9[%swap3A_59, %swap3A_60], %add3A_58 {strides = array<i32>} : memref<8x4xf32, #tpu.memory_space<vmem>>, vector<8x4xf32>,
    } else {
    }
    return
  }
  func.func @transform_0(%arg0: i32, %arg1: i32) -> (i32, i32, i32) {
    %c0_i32 = arith.constant 0 : i32
    %c0_i32_0 = arith.constant 0 : i32
    return %arg0, %c0_i32, %arg1 : i32, i32, i32
  }
  func.func @transform_1(%arg0: i32, %arg1: i32) -> (i32, i32, i32) {
    %c0_i32 = arith.constant 0 : i32
    %c0_i32_0 = arith.constant 0 : i32
    %c0_i32_1 = arith.constant 0 : i32
    return %arg1, %c0_i32, %c0_i32_0 : i32, i32, i32
  }
  func.func @transform_2(%arg0: i32, %arg1: i32) -> (i32, i32) {
    %c0_i32 = arith.constant 0 : i32
    %c0_i32_0 = arith.constant 0 : i32
    %c0_i32_1 = arith.constant 0 : i32
    return %c0_i32, %c0_i32_0 : i32, i32
  }
  func.func @transform_3(%arg0: i32, %arg1: i32) -> (i32, i32) {
    %c0_i32 = arith.constant 0 : i32
    %c0_i32_0 = arith.constant 0 : i32
    %c0_i32_1 = arith.constant 0 : i32
    return %c0_i32, %c0_i32_0 : i32, i32
  }
  func.func @transform_4(%arg0: i32, %arg1: i32) -> (i32, i32) {
    %c0_i32 = arith.constant 0 : i32
    %c0_i32_0 = arith.constant 0 : i32
    %c0_i32_1 = arith.constant 0 : i32
    return %c0_i32, %c0_i32_0 : i32, i32
  }
  func.func @transform_5(%arg0: i32, %arg1: i32) -> (i32, i32) {
    %c0_i32 = arith.constant 0 : i32
    %c0_i32_0 = arith.constant 0 : i32
    %c0_i32_1 = arith.constant 0 : i32
    return %c0_i32, %c0_i32_0 : i32, i32
  }
  func.func @transform_6(%arg0: i32, %arg1: i32) -> (i32, i32, i32) {
    %c0_i32 = arith.constant 0 : i32
    %c0_i32_0 = arith.constant 0 : i32
    return %arg0, %c0_i32, %arg1 : i32, i32, i32
  }
  func.func @transform_7(%arg0: i32, %arg1: i32) -> (i32, i32) {
    %c0_i32 = arith.constant 0 : i32
    %c0_i32_0 = arith.constant 0 : i32
    %c0_i32_1 = arith.constant 0 : i32
    return %c0_i32, %c0_i32_0 : i32, i32
  }
}

module attributes {stable_mosaic.version = 14 : i64} {
  func.func @_p5_body(%arg0: i32, %arg1: i32, %arg2: memref<1x8x4096xf32, #tpu.memory_space<vmem>>, %arg3: memref<8x1xf32, #tpu.memory_space<vmem>>, %arg4: memref<8x1xf32, #tpu.memory_space<vmem>>, %arg5: memref<1x8x4096xf32, #tpu.memory_space<vmem>>) attributes {dimension_semantics = [#tpu.dimension_semantics<arbitrary>, #tpu.dimension_semantics<arbitrary>], iteration_bounds = array<i64: 128, 4>, scalar_prefetch = 0 : i64, scratch_operands = 0 : i64, tpu.core_type = #tpu.core_type<tc>, window_params = [{transform_indices = @transform_0, window_bounds = array<i64: 1, 8, 4096>}, {pipeline_mode = #tpu.pipeline_mode<synchronous>, transform_indices = @transform_1, window_bounds = array<i64: 8, 1>}, {pipeline_mode = #tpu.pipeline_mode<synchronous>, transform_indices = @transform_2, window_bounds = array<i64: 8, 1>}, {transform_indices = @transform_3, window_bounds = array<i64: 1, 8, 4096>}]} {
    %get3A = arith.constant 0 : index
    %get3A_0 = arith.constant 0 : index
    %get3A_1 = vector.load %arg3[%get3A, %get3A_0] : memref<8x1xf32, #tpu.memory_space<vmem>>, vector<8x1xf32>
    %get3A_2 = arith.constant 0 : index
    %get3A_3 = arith.constant 0 : index
    %get3A_4 = arith.constant 0 : index
    %get3A_5 = vector.load %arg2[%get3A_2, %get3A_3, %get3A_4] : memref<1x8x4096xf32, #tpu.memory_space<vmem>>, vector<1x8x4096xf32>
    %get3A_6 = vector.shape_cast %get3A_5 : vector<1x8x4096xf32> to vector<8x4096xf32>
    %mul3A = vector.broadcast %get3A_1 : vector<8x1xf32> to vector<8x4096xf32>
    %mul3A_7 = arith.mulf %mul3A, %get3A_6 : vector<8x4096xf32>
    %get3A_8 = arith.constant 0 : index
    %get3A_9 = arith.constant 0 : index
    %get3A_10 = vector.load %arg4[%get3A_8, %get3A_9] : memref<8x1xf32, #tpu.memory_space<vmem>>, vector<8x1xf32>
    %add3A = vector.broadcast %get3A_10 : vector<8x1xf32> to vector<8x4096xf32>
    %add3A_11 = arith.addf %mul3A_7, %add3A : vector<8x4096xf32>
    %mul3A_12 = arith.constant 5.000000e-01 : f32
    %mul3A_13 = vector.broadcast %mul3A_12 : f32 to vector<8x4096xf32>
    %mul3A_14 = arith.mulf %mul3A_13, %add3A_11 : vector<8x4096xf32>
    %div3A = arith.constant 1.41421354 : f32
    %div3A_15 = vector.broadcast %div3A : f32 to vector<8x4096xf32>
    %div3A_16 = arith.divf %add3A_11, %div3A_15 : vector<8x4096xf32>
    %erf3A = math.erf %div3A_16 : vector<8x4096xf32>
    %add3A_17 = arith.constant 1.000000e+00 : f32
    %add3A_18 = vector.broadcast %add3A_17 : f32 to vector<8x4096xf32>
    %add3A_19 = arith.addf %add3A_18, %erf3A : vector<8x4096xf32>
    %mul3A_20 = arith.mulf %mul3A_14, %add3A_19 : vector<8x4096xf32>
    %swap3A = arith.constant 0 : index
    %swap3A_21 = arith.constant 0 : index
    %swap3A_22 = arith.constant 0 : index
    %swap3A_23 = vector.load %arg5[%swap3A, %swap3A_21, %swap3A_22] : memref<1x8x4096xf32, #tpu.memory_space<vmem>>, vector<1x8x4096xf32>
    %swap3A_24 = vector.shape_cast %swap3A_23 : vector<1x8x4096xf32> to vector<8x4096xf32>
    %swap3A_25 = vector.shape_cast %mul3A_20 : vector<8x4096xf32> to vector<1x8x4096xf32>
    tpu.vector_store %arg5[%swap3A, %swap3A_21, %swap3A_22], %swap3A_25 {strides = array<i32>} : memref<1x8x4096xf32, #tpu.memory_space<vmem>>, vector<1x8x4096xf32>,
    return
  }
  func.func @transform_0(%arg0: i32, %arg1: i32) -> (i32, i32, i32) {
    %c0_i32 = arith.constant 0 : i32
    %c0_i32_0 = arith.constant 0 : i32
    return %arg0, %c0_i32, %arg1 : i32, i32, i32
  }
  func.func @transform_1(%arg0: i32, %arg1: i32) -> (i32, i32) {
    %c0_i32 = arith.constant 0 : i32
    %c0_i32_0 = arith.constant 0 : i32
    %c0_i32_1 = arith.constant 0 : i32
    return %c0_i32, %c0_i32_0 : i32, i32
  }
  func.func @transform_2(%arg0: i32, %arg1: i32) -> (i32, i32) {
    %c0_i32 = arith.constant 0 : i32
    %c0_i32_0 = arith.constant 0 : i32
    %c0_i32_1 = arith.constant 0 : i32
    return %c0_i32, %c0_i32_0 : i32, i32
  }
  func.func @transform_3(%arg0: i32, %arg1: i32) -> (i32, i32, i32) {
    %c0_i32 = arith.constant 0 : i32
    %c0_i32_0 = arith.constant 0 : i32
    return %arg0, %c0_i32, %arg1 : i32, i32, i32
  }
}

</mosaic_0001>

<sc_bundles>
// kernel: sparse-core-data-format-call.cloned.1.call-start
scs
called_computation_lowered:
.L_overlay_start_0:
0x0: {  	s2 =	sld [smem:$0x3FD9]  }
0x1: {  	s3 =	sld [smem:$0x3FFE];
	_ =	sdelay $0x1  }
0x2: {  	s1 =	srdreg.scid  }
0x3: {  	s0 =	sand.u32 $0x1, s1  }
0x4: {  	s18 =	sshll.u32 s0, $0xA;
	s2 =	sadd.s32 s3, s2  }
0x5: {  	s2 =	sadd.s32 s2, s18  }
0x6: {  	[smem:$0x3FB4] =	sst s2  }
0x7: {  	_ = 	snop  }
0x8: {  	s2 =	sld [smem:$0x3FD0];
	(tm) =	ssettm $0x1  }
0x9: {  	s19 =	sld [smem:$0x3FFB];
	_ =	sdelay $0x3  }
0xa: {  	_ =	strace s19  }
0xb: {  	s3 =	sld [smem:$0x3FFC];
	_ =	sdelay $0x3  }
0xc: {  	_ =	strace s3  }
0xd: {  	s3 =	sld [smem:$0x3FFD];
	_ =	sdelay $0x3  }
0xe: {  	_ =	strace s3  }
0xf: {  	_ =	strace $0x8FFFFFFF  }
0x10: {  	s20 =	sld [smem:$0x3FDB];
	_ =	sdelay $0x1  }
0x11: {  	s4 =	simm.s32 $_scs_section_size  }
0x12: {  	s5 =	simm.s32 $_size__tile_overlayer_lowered;
	s6 =	simm.s32 $_tile_overlayer_lowered  }
0x13: {  	s23 =	simm.s32 $0x1BFF;
	s22 =	sshll.u32 s6, $0x1;
	s3 =	sadd.s32 s4, s20  }
0x14: {  	s7 =	simm.s32 $0x0;
	s21 =	sshll.u32 s5, $0x1;
	s5 =	sadd.s32 s22, s3  }
0x15: {  	[timem:s7], [sflag:s23] =	dma.local [hbm:s5], s21  }
0x16: {  	_ =	swait.ge [sflag:s23], s21  }
0x17: {  	s4 =	ssub.s32 $0x0, s21;
	[sflag:s23] =	ssyncset.done $0x0  }
0x18: {  	[sflag:s23] =	ssyncadd.s32 s4;
	_ =	sdelay $0x1  }
0x19: {  	s24 =	simm.s32 $0x1B8B  }
0x1a: {  	_ =	swait.ge [sflag:s24], $0x1  }
0x1b: {  	[sflag:s24] =	ssyncset.done $0x0  }
0x1c: {  	s26 =	simm.s32 $0x1B8E;
	s25 =	sld [smem:$0x3FFE];
	[sflag:s24] =	ssyncadd.s32 $0xFFFFFFFF  }
0x1d: {  	s27 =	simm.s32 $execute0_lowered;
	[smem:$0x3FD2] =	sst s26  }
0x1e: {  	s5 =	sshll.u32 s27, $0x1;
	_ =	strace $0x80000046;
	[dreg:$0x1] =	wrdreg $0xFFFFFFFF  }
0x1f: {  	s28 =	simm.s32 $_size_execute0_lowered;
	s3 =	sadd.s32 s3, s5;
	[dreg:$0x0] =	wrdreg $0x0  }
0x20: {  	s5 =	sshll.u32 s28, $0x1;
	[dreg:$0x2] =	wrdreg s3  }
0x21: {  	[dreg:$0x3] =	wrdreg s5  }
0x22: {  	[dreg:$0x4] =	wrdreg $0xC0  }
0x23: {  	_ =	task [dreg:s7], $0x5FFFF  }
0x24: {  	[dreg:$0x1] =	wrdreg $0xFFFFFFFF  }
0x25: {  	[dreg:$0x0] =	wrdreg $0x60  }
0x26: {  	[dreg:$0x2] =	wrdreg s25  }
0x27: {  	[dreg:$0x3] =	wrdreg s2  }
0x28: {  	[dreg:$0x4] =	wrdreg $0x9  }
0x29: {  	_ =	task.clear_ibuf [dreg:s7], $0x5FFFF;
	_ =	strace $0x90000046  }
0x2a: {  	s29 =	simm.s32 $0x9;
	_ =	strace $0x80000048  }
0x2b: {  	_ =	swait.ge [sflag:s29], $0x1  }
0x2c: {  	[sflag:s29] =	ssyncadd.s32 $0xFFFFFFFF  }
0x2d: {  	_ =	strace $0x90000048  }
0x2e: {  	_ =	sfence  }
0x2f: {  	s30 =	sld [smem:$0x0];
	_ =	sdelay $0x2  }
0x30: {  	s31 =	sshll.u32 s1, $0xD;
	s1 =	sshrl.u32 s1, $0x2  }
0x31: {  	s3 =	sand.u32 $0x4000, s31;
	s1 =	sadd.s32 s1, s30  }
0x32: {  	s0 =	sor.u32 s3, s0;
	s1 =	sshll.u32 s1, $0x11  }
0x33: {  	s0 =	sor.u32 s1, s0  }
0x34: {  	s0 =	sadd.s32 $0x8F2B, s0  }
0x35: {  	[sflag:s0] =	ssyncadd.remote.s32 $0x1  }
0x36: {  	_ =	sfence.sel $0xFFFF  }
0x37: {  	[dreg:$0x0] =	wrdreg $0xFFFFFFFF;
	(pc) =	sbr.abs _section_cstart, $3  }
0x38: {  	[dreg:$0x1] =	wrdreg $0xFFFFFFFF  }
0x39: {  	_ =	task.clear_ibuf [dreg:s7], $0x2FFFF;
	_ =	strace $0x9FFFFFFF  }
0x3a: {  	(tm) =	ssettm $0x7FFFFFFF  }
0x3b: {  	_ =	shalt  }
tec
execute0_lowered:
.L_overlay_start_1:
0x0: {  	(tag) =	ssettag $0x1  }
0x1: {  	s1 =	rddreg [dreg:$0x0]  }
0x2: {  	s2 =	rddreg [dreg:$0x1]  }
0x3: {  	s0 =	rddreg [dreg:$0x2];
	_ =	strace $0x80000047;
	s4 =	srdreg.scid  }
0x4: {  	s6 =	simm.s32 $0x2;
	s11 =	simm.s32 $0x0;
	p0 =	por $0x0, $0x0  }
.Ltmp0:
0x5: {  	s7 =	simm.s32 $0x4000;
	s12 =	simm.s32 $0x0;
	(pc) =	sbr.rel .LBB1_1-.Ltmp0, $4  }
0x6: {  	s9 =	simm.s32 $0x0;
	s3 =	sadd.s32 $0xE00, s1;
	s5 =	sshll.u32 s4, $0x4  }
0x7: {  	s1 =	stileid.u32;
	s4 =	simm.s32 $0x1;
	s5 =	sand.u32 $0x10, s5  }
0x8: {  	s8 =	simm.s32 $0x0;
	[sflag:s4] =	ssyncpa.u1 $0x0;
	s5 =	sor.u32 s1, s5  }
0x9: {  	[sflag:s6] =	ssyncpa.u1 $0x0;
	s6 =	simm.s32 $0x800;
	s10 =	smov.u32 s5  }
.LBB1_7:
0xa: {  	s13 =	sadd.s32 $0x10, s9  }
0xb: {  	s11 =	sadd.s32 $0x20, s10;
	s15 =	smov.u32 s10;
	p2 =	sgt.s32 s13, $0x7F  }
0xc: {  	p1 =	slt.u32 s8, $0x2;
	s15 =	smov.u32 @p2 s11  }
0xd: {  	s8 =	sadd.s32 $0x1, s8;
	s13 =	simm.s32 @p2 $0x0;
	p2 =	sgt.s32 s15, $0x7F  }
0xe: {  	s15 =	smov.u32 @p2 s5;
	p2 =	sne.s32 s8, $0x22  }
.Ltmp1:
0xf: {  	_ = 	snop;
	(pc) =	sbr.rel @!p2 .LBB1_8-.Ltmp1, $4  }
0x10: {  	s14 =	simm.s32 @!p1 $0x2  }
0x11: {  	s12 =	smov.u32 s10;
	_ =	swait.ge @!p1 [sflag:s14], $0x4000  }
0x12: {  	p0 =	por !p0, !p0;
	s11 =	smov.u32 s9;
	[sflag:s14] =	ssyncset.done @!p1 $0x0  }
0x13: {  	s9 =	smov.u32 s13;
	[sflag:s14] =	ssyncadd.s32 @!p1 $0xFFFFC000;
	s10 =	smov.u32 s15  }
.LBB1_1:
0x14: {  	p1 =	sgt.u32 s8, $0x1F  }
0x15: {  	s13 =	sxor.u32 @!p1 $0xFFFFFFFF, s8;
	s14 =	sshll.u32 @!p1 s10, $0xE  }
0x16: {  	s15 =	sshll.u32 @!p1 s9, $0x7;
	s13 =	sshll.u32 @!p1 s13, $0xE;
	s14 =	sadd.s32 @!p1 s3, s14  }
0x17: {  	s13 =	sand.u32 @!p1 $0x4000, s13;
	s14 =	sadd.s32 @!p1 s15, s14;
	s15 =	simm.s32 @!p1 $0x0  }
0x18: {  	[tilespmem:s13], [sflag:$0x1] =	stream.linear.gather @!p1 [hbm4b:s14+s15], $0x4000, $0x38;
	[tilespmem:$0x10000] =	vst v63  }
0x19: {  	p1 =	seq.s32 s8, $0x0  }
0x1a: {  	p2 =	seq.s32 @!p1 s8, $0x21  }
0x1b: {  	p1 =	por p1, p2  }
.Ltmp2:
0x1c: {  	_ = 	snop;
	(pc) =	sbr.rel @p1 .LBB1_7-.Ltmp2, $1  }
0x1d: {  	_ =	sdelay $0x3  }
0x1e: {  	s13 =	simm.s32 $0x1;
	_ =	swait.ge [sflag:s4], $0x4000;
	s16 =	sshll.u32 s8, $0xE  }
0x1f: {  	s13 =	simm.s32 @!p0 $0x0;
	[sflag:s4] =	ssyncset.done $0x0;
	s31 =	sand.u32 $0x4000, s16  }
0x20: {  	s16 =	simm.s32 $0x0;
	s14 =	sshll.u32 s13, $0xE;
	[sflag:s4] =	ssyncadd.s32 $0xFFFFC000  }
0x21: {  	s13 =	sor.u32 $0x8040, s14;
	s15 =	sor.u32 $0x40, s14;
	s14 =	sor.u32 $0x8000, s31  }
.LBB1_3:
0x22: {  	v0 =	vmov s15;
	_ =	sdelay $0x3  }
0x23: {  	s18 =	simm.s32 $0x0  }
0x24: {  	v6 =	vld.idx.msk [tilespmem:v0+s18+$0x30 ss:$0x1], $0xffff  }
0x25: {  	v7 =	vld.idx.msk [tilespmem:v0+s18+$0xFFFFFFC0 ss:$0x1], $0xffff  }
0x26: {  	v5 =	vld.idx.msk [tilespmem:v0+s18+$0xFFFFFFD0 ss:$0x1], $0xffff  }
0x27: {  	v4 =	vld.idx.msk [tilespmem:v0+s18+$0xFFFFFFE0 ss:$0x1], $0xffff  }
0x28: {  	v3 =	vld.idx.msk [tilespmem:v0+s18+$0xFFFFFFF0 ss:$0x1], $0xffff  }
0x29: {  	v1 =	vld.idx.msk [tilespmem:v0+s18+$0x0 ss:$0x1], $0xffff  }
0x2a: {  	v2 =	vld.idx.msk [tilespmem:v0+s18+$0x10 ss:$0x1], $0xffff;
	[tilespmem:s13+$0x30] =	vst v6  }
0x2b: {  	s17 =	simm.s32 $0x80;
	s19 =	simm.s32 $0x400;
	[tilespmem:s13+$0xFFFFFFC0] =	vst v7;
	v6 =	vld.idx.msk [tilespmem:v0+s18+$0x20 ss:$0x1], $0xffff;
	s18 =	smov.u32 s13  }
.LBB1_4:
0x2c: {  	p1 =	sne.s32 s19, $0xE00;
	v7 =	vld.idx.msk [tilespmem:v0+s17+$0x30 ss:$0x1], $0xffff;
	[tilespmem:s18+$0xFFFFFFD0] =	vst v5  }
0x2d: {  	v8 =	vld.idx.msk [tilespmem:v0+s17+$0xFFFFFFC0 ss:$0x1], $0xffff;
	[tilespmem:s18+$0xFFFFFFE0] =	vst v4  }
0x2e: {  	v5 =	vld.idx.msk [tilespmem:v0+s17+$0xFFFFFFD0 ss:$0x1], $0xffff;
	[tilespmem:s18+$0xFFFFFFF0] =	vst v3  }
.Ltmp3:
0x2f: {  	v4 =	vld.idx.msk [tilespmem:v0+s17+$0xFFFFFFE0 ss:$0x1], $0xffff;
	[tilespmem:s18+$0x0] =	vst v1;
	(pc) =	sbr.rel @p1 .LBB1_4-.Ltmp3, $4  }
0x30: {  	v3 =	vld.idx.msk [tilespmem:v0+s17+$0xFFFFFFF0 ss:$0x1], $0xffff;
	[tilespmem:s18+$0x10] =	vst v2  }
0x31: {  	v1 =	vld.idx.msk [tilespmem:v0+s17+$0x0 ss:$0x1], $0xffff;
	[tilespmem:s18+$0x20] =	vst v6;
	s18 =	sadd.s32 $0x800, s18  }
0x32: {  	v2 =	vld.idx.msk [tilespmem:v0+s17+$0x10 ss:$0x1], $0xffff;
	[tilespmem:s18+$0x30] =	vst v7  }
0x33: {  	[tilespmem:s18+$0xFFFFFFC0] =	vst v8;
	v6 =	vld.idx.msk [tilespmem:v0+s17+$0x20 ss:$0x1], $0xffff;
	s17 =	sshra.s32 s19, $0x2;
	s19 =	sadd.s32 $0x200, s19  }
0x34: {  	_ =	sdelay $0x2  }
0x35: {  	[tilespmem:s18+$0xFFFFFFD0] =	vst v5  }
0x36: {  	v56 =	vld.idx.msk [tilespmem:v0+s17+$0x30 ss:$0x1], $0xffff;
	[tilespmem:s18+$0xFFFFFFE0] =	vst v4  }
0x37: {  	v57 =	vld.idx.msk [tilespmem:v0+s17+$0xFFFFFFC0 ss:$0x1], $0xffff;
	[tilespmem:s18+$0xFFFFFFF0] =	vst v3  }
0x38: {  	v58 =	vld.idx.msk [tilespmem:v0+s17+$0xFFFFFFD0 ss:$0x1], $0xffff;
	[tilespmem:s18+$0x0] =	vst v1  }
0x39: {  	v59 =	vld.idx.msk [tilespmem:v0+s17+$0xFFFFFFE0 ss:$0x1], $0xffff;
	[tilespmem:s18+$0x10] =	vst v2  }
0x3a: {  	v60 =	vld.idx.msk [tilespmem:v0+s17+$0xFFFFFFF0 ss:$0x1], $0xffff;
	s31 =	sadd.s32 $0x800, s18;
	[tilespmem:s18+$0x20] =	vst v6  }
0x3b: {  	v61 =	vld.idx.msk [tilespmem:v0+s17+$0x0 ss:$0x1], $0xffff;
	[tilespmem:s31+$0x30] =	vst v56  }
0x3c: {  	v62 =	vld.idx.msk [tilespmem:v0+s17+$0x10 ss:$0x1], $0xffff;
	s16 =	sadd.s32 $0x1, s16;
	[tilespmem:s31+$0xFFFFFFC0] =	vst v57  }
0x3d: {  	v63 =	vld.idx.msk [tilespmem:v0+s17+$0x20 ss:$0x1], $0xffff;
	p1 =	sne.s32 s16, $0x10;
	[tilespmem:s31+$0xFFFFFFD0] =	vst v58  }
.Ltmp4:
0x3e: {  	[tilespmem:s31+$0xFFFFFFE0] =	vst v59;
	(pc) =	sbr.rel @p1 .LBB1_3-.Ltmp4, $4  }
0x3f: {  	[tilespmem:s31+$0xFFFFFFF0] =	vst v60  }
0x40: {  	[tilespmem:s31+$0x0] =	vst v61  }
0x41: {  	[tilespmem:s31+$0x10] =	vst v62  }
0x42: {  	s13 =	sadd.s32 $0x80, s13;
	s15 =	sadd.s32 $0x400, s15;
	[tilespmem:s31+$0x20] =	vst v63  }
.Ltmp5:
0x43: {  	(pc) =	sbr.rel .LBB1_7-.Ltmp5, $4  }
0x44: {  	s12 =	sshll.u32 s12, $0xE;
	s11 =	sshll.u32 s11, $0x4  }
0x45: {  	s11 =	sand.u32 $0x7F0, s11;
	s12 =	sadd.s32 s2, s12  }
0x46: {  	s11 =	sadd.s32 s11, s12  }
0x47: {  	[hbm4b:s11+s6] =	stream.strided.scatter [tilespmem:s14], [sflag:$0x2], $0x4000, s7, s6, $0x38;
	[tilespmem:$0x10000] =	vst v63  }
.LBB1_8:
0x48: {  	_ =	sfence.sel $0x180000  }
0x49: {  	s2 =	simm.s32 $0x1;
	[bflag:$0x0] =	sbarrier.arrive $0xFFFF  }
0x4a: {  	s31 =	simm.s32 $0x2;
	[sflag:s2] =	ssyncpa.u1 $0x1  }
0x4b: {  	[sflag:s31] =	ssyncpa.u1 $0x1  }
0x4c: {  	p0 =	sne.s32 s1, $0x0;
	_ =	strace $0x90000047  }
0x4d: {  	s0 =	sadd.s32 @!p0 $0x100000, s0;
	[bflag:$0x2] =	sbarrier.arrive $0xFFFF  }
0x4e: {  	[sflag:s0] =	ssyncadd.tile.s32 @!p0 $0x1;
	_ =	shalt  }
.Lfunc_end1:
_tile_overlayer_lowered:
.L_overlay_start_2:
0x4f: {  	(tag) =	ssettag $0x2  }
0x50: {  	s0 =	rddreg [dreg:$0x0];
	s2 =	stileid.u32  }
0x51: {  	s1 =	rddreg [dreg:$0x1];
	p0 =	sne.s32 s2, $0x0  }
0x52: {  	s3 =	rddreg [dreg:$0x2];
	[bflag:$0x3] =	sbarrier.arrive $0xFFFF;
	s2 =	simm.s32 @!p0 $0x1C01  }
0x53: {  	[timem:s3], [sflag:s2] =	dma.local @!p0 [hbm:s0], s1  }
0x54: {  	s0 =	simm.s32 @!p0 $0x1  }
0x55: {  	_ =	swait.ge @!p0 [sflag:s0], s1  }
0x56: {  	s1 =	ssub.s32 @!p0 $0x0, s1;
	[sflag:s0] =	ssyncset.done @!p0 $0x0  }
0x57: {  	[sflag:s0] =	ssyncadd.s32 @!p0 s1  }
0x58: {  	[bflag:$0x3] =	sbarrier.arrive $0xFFFF  }
0x59: {  	_ =	shalt  }

</sc_bundles>
